<compile_context>
chip_gen: v7x
topology: tpu7x:2x2x1
jax: 0.10.2.dev20260603
libtpu: 0.0.44.dev20260713+nightly
codegen_flags: <defaults>
</compile_context>

<pallas_src>
import functools

import jax
import jax.numpy as jnp
from jax import lax
from jax.experimental import pallas as pl
from jax.experimental.pallas import tpu as pltpu
from jax.experimental.pallas import tpu_sc as plsc

_WIN = 12
_SEQ = _WIN * _WIN
_NH = 32
_TBL = (2 * _WIN - 1) ** 2
_VPR = _SEQ // 16


@functools.cache
def _build_sc_kernel():
    mesh = plsc.VectorSubcoreMesh(core_axis_name="c", subcore_axis_name="s")

    @functools.partial(
        pl.kernel,
        mesh=mesh,
        out_type=jax.ShapeDtypeStruct((_NH, _SEQ, _SEQ), jnp.float32),
        compiler_params=pltpu.CompilerParams(needs_layout_passes=False),
        scratch_types=[
            pltpu.VMEM((1, _TBL), jnp.float32),
            pltpu.VMEM((_SEQ, _SEQ), jnp.float32),
            pltpu.SemaphoreType.DMA,
        ],
    )
    def _sc_bias_gather(tablet_hbm, out_hbm, col_v, slab_v, sem):
        w = lax.axis_index("s") * mesh.num_cores + lax.axis_index("c")
        pltpu.sync_copy(tablet_hbm.at[w], col_v)

        lanes = lax.iota(jnp.int32, 16)
        zeros = lanes * 0
        d_regs = []
        for u in range(_VPR):
            j = lanes + u * 16
            jh = j // _WIN
            d_regs.append(jh * (2 * _WIN - 1) + (j - jh * _WIN))

        half = _SEQ // 2

        def _gather_row(i):
            ih = i // _WIN
            s_i = (ih + _WIN - 1) * (2 * _WIN - 1) + (i - ih * _WIN) + _WIN - 1
            for u in range(_VPR):
                idx = s_i - d_regs[u]
                slab_v[i, pl.ds(u * 16, 16)] = plsc.load_gather(col_v, [zeros, idx])

        plsc.parallel_loop(0, half, step=1, unroll=4)(_gather_row)
        top = pltpu.async_copy(
            slab_v.at[pl.ds(0, half)], out_hbm.at[w, pl.ds(0, half)], sem
        )
        plsc.parallel_loop(half, _SEQ, step=1, unroll=4)(_gather_row)
        top.wait()
        pltpu.sync_copy(
            slab_v.at[pl.ds(half, half)], out_hbm.at[w, pl.ds(half, half)]
        )

    return _sc_bias_gather


def kernel(relative_position_bias_table):
    table_t = relative_position_bias_table.T.reshape(_NH, 1, _TBL)
    return _build_sc_kernel()(table_t)

# --- scband reference (transcript-rebuilt; emitter-appended) ---
"""Pipeline reference for scband-flax-donut-swin-relative-position-bias-6390911336990 (READ-ONLY COPY).

The authoritative reference and input builder live on the scoring server;
editing this copy changes nothing except your own understanding.
"""

import jax, jax.numpy as jnp
import numpy as np

WINDOW = (12, 12)
NUM_HEADS = 32


def relative_position_index_init(window_size):
    coords_h = np.arange(window_size[0])
    coords_w = np.arange(window_size[1])
    coords = np.stack(np.meshgrid(coords_h, coords_w, indexing='ij'))
    coords_flatten = np.reshape(coords, (2, -1))
    relative_coords = coords_flatten[:, :, None] - coords_flatten[:, None, :]
    relative_coords = np.transpose(relative_coords, (1, 2, 0))
    relative_coords[:, :, 0] += window_size[0] - 1
    relative_coords[:, :, 1] += window_size[1] - 1
    relative_coords[:, :, 0] *= 2 * window_size[1] - 1
    relative_position_index = relative_coords.sum(-1)
    return jnp.array(relative_position_index)


def setup_inputs(seed: int = 0) -> dict:
    key = jax.random.key(seed)
    num_relative_distance = (2 * WINDOW[0] - 1) * (2 * WINDOW[1] - 1)
    table = jax.random.normal(key, (num_relative_distance, NUM_HEADS), dtype=jnp.float32) * 0.02
    return {"relative_position_bias_table": table}


def reference(relative_position_bias_table):
    index = relative_position_index_init(WINDOW).reshape(-1)
    shape = (WINDOW[0] * WINDOW[1], WINDOW[0] * WINDOW[1], -1)
    relative_position_bias = jnp.reshape(relative_position_bias_table[index], shape)
    return jnp.transpose(relative_position_bias, (2, 0, 1))

if __name__ == "__main__":
    import jax
    _d = setup_inputs()
    print(jax.jit(kernel)(*tuple(_d.values())))

</pallas_src>

<mosaic_0001>
#map = affine_map<(d0, d1) -> (0, 0, 0)>
module attributes {stable_mosaic.version = 14 : i64} {
  func.func @_sc_bias_gather(%arg0: i32, %arg1: i32, %arg2: memref<32x1x529xf32, #tpu.memory_space<hbm>>, %arg3: memref<32x144x144xf32, #tpu.memory_space<hbm>>, %arg4: memref<1x529xf32, #tpu.memory_space<vmem>>, %arg5: memref<144x144xf32, #tpu.memory_space<vmem>>, %arg6: memref<!tpu.dma_semaphore, #tpu.memory_space<semaphore_mem>>) attributes {dimension_semantics = [#tpu.dimension_semantics<core_parallel>, #tpu.dimension_semantics<subcore_parallel>], iteration_bounds = array<i64: 2, 16>, scalar_prefetch = 0 : i64, scratch_operands = 3 : i64, tpu.core_type = #tpu.core_type<sc_vector_subcore>, window_params = [{transform_indices = #map}, {transform_indices = #map}]} {
    %mul3A = arith.constant 2 : i32
    %mul3A_0 = arith.muli %arg1, %mul3A : i32
    %add3A = arith.addi %mul3A_0, %arg0 : i32
    "tpu.region"() ({
      %run_scoped3A = tpu.sem_alloc : memref<!tpu.dma_semaphore, #tpu.memory_space<semaphore_mem>>
      %dma_start3A_405 = arith.constant 0 : i32
      %dma_start3A_406 = arith.constant 0 : i32
      %dma_start3A_407 = tpu.memref_slice %arg2[%add3A, %dma_start3A_405, %dma_start3A_406] : memref<32x1x529xf32, #tpu.memory_space<hbm>> -> memref<1x1x529xf32, #tpu.memory_space<hbm>>
      %dma_start3A_408 = tpu.memref_squeeze %dma_start3A_407 : memref<1x1x529xf32, #tpu.memory_space<hbm>> -> memref<1x529xf32, #tpu.memory_space<hbm>>
      %dma_start3A_409 = arith.constant 0 : i32
      %dma_start3A_410 = arith.constant 0 : i32
      %dma_start3A_411 = tpu.memref_slice %arg2[%add3A, %dma_start3A_409, %dma_start3A_410] : memref<32x1x529xf32, #tpu.memory_space<hbm>> -> memref<1x1x529xf32, #tpu.memory_space<hbm>>
      %dma_start3A_412 = tpu.memref_squeeze %dma_start3A_411 : memref<1x1x529xf32, #tpu.memory_space<hbm>> -> memref<1x529xf32, #tpu.memory_space<hbm>>
      tpu.enqueue_dma source(%dma_start3A_412 : memref<1x529xf32, #tpu.memory_space<hbm>>) target(%arg4 : memref<1x529xf32, #tpu.memory_space<vmem>>) target_semaphore(%run_scoped3A : memref<!tpu.dma_semaphore, #tpu.memory_space<semaphore_mem>>)
      %dma_wait3A_413 = arith.constant 0 : i32
      %dma_wait3A_414 = arith.constant 0 : i32
      %dma_wait3A_415 = tpu.memref_slice %arg2[%add3A, %dma_wait3A_413, %dma_wait3A_414] : memref<32x1x529xf32, #tpu.memory_space<hbm>> -> memref<1x1x529xf32, #tpu.memory_space<hbm>>
      %dma_wait3A_416 = tpu.memref_squeeze %dma_wait3A_415 : memref<1x1x529xf32, #tpu.memory_space<hbm>> -> memref<1x529xf32, #tpu.memory_space<hbm>>
      %dma_wait3A_417 = arith.constant 0 : i32
      %dma_wait3A_418 = arith.constant 0 : i32
      %dma_wait3A_419 = tpu.memref_slice %arg2[%add3A, %dma_wait3A_417, %dma_wait3A_418] : memref<32x1x529xf32, #tpu.memory_space<hbm>> -> memref<1x1x529xf32, #tpu.memory_space<hbm>>
      %dma_wait3A_420 = tpu.memref_squeeze %dma_wait3A_419 : memref<1x1x529xf32, #tpu.memory_space<hbm>> -> memref<1x529xf32, #tpu.memory_space<hbm>>
      tpu.wait_dma2 semaphore(%run_scoped3A : memref<!tpu.dma_semaphore, #tpu.memory_space<semaphore_mem>>) src(%dma_wait3A_420 : memref<1x529xf32, #tpu.memory_space<hbm>>) dst(%arg4 : memref<1x529xf32, #tpu.memory_space<vmem>>)
      tpu.yield
    }) : () -> ()
    %iota3A = tpu.iota {dimensions = array<i32: 0>} : vector<16xi32>
    %mul3A_1 = arith.constant 0 : i32
    %mul3A_2 = vector.broadcast %mul3A_1 : i32 to vector<16xi32>
    %mul3A_3 = arith.muli %iota3A, %mul3A_2 : vector<16xi32>
    %add3A_4 = arith.constant 0 : i32
    %add3A_5 = vector.broadcast %add3A_4 : i32 to vector<16xi32>
    %add3A_6 = arith.addi %iota3A, %add3A_5 : vector<16xi32>
    %jit3A = arith.constant 12 : i32
    %div3A = vector.broadcast %jit3A : i32 to vector<16xi32>
    %div3A_7 = arith.divsi %add3A_6, %div3A : vector<16xi32>
    %sign3A = arith.constant 0 : i32
    %sign3A_8 = vector.broadcast %sign3A : i32 to vector<16xi32>
    %sign3A_9 = arith.cmpi sgt, %add3A_6, %sign3A_8 : vector<16xi32>
    %sign3A_10 = arith.extui %sign3A_9 : vector<16xi1> to vector<16xi32>
    %sign3A_11 = arith.constant 0 : i32
    %sign3A_12 = vector.broadcast %sign3A_11 : i32 to vector<16xi32>
    %sign3A_13 = arith.cmpi slt, %add3A_6, %sign3A_12 : vector<16xi32>
    %sign3A_14 = arith.extui %sign3A_13 : vector<16xi1> to vector<16xi32>
    %sign3A_15 = arith.subi %sign3A_10, %sign3A_14 : vector<16xi32>
    %sign3A_16 = arith.constant 0 : i32
    %sign3A_17 = arith.cmpi sgt, %jit3A, %sign3A_16 : i32
    %sign3A_18 = arith.extui %sign3A_17 : i1 to i32
    %sign3A_19 = arith.constant 0 : i32
    %sign3A_20 = arith.cmpi slt, %jit3A, %sign3A_19 : i32
    %sign3A_21 = arith.extui %sign3A_20 : i1 to i32
    %sign3A_22 = arith.subi %sign3A_18, %sign3A_21 : i32
    %ne3A = vector.broadcast %sign3A_22 : i32 to vector<16xi32>
    %ne3A_23 = arith.cmpi ne, %sign3A_15, %ne3A : vector<16xi32>
    %rem3A = vector.broadcast %jit3A : i32 to vector<16xi32>
    %rem3A_24 = arith.remsi %add3A_6, %rem3A : vector<16xi32>
    %ne3A_25 = arith.constant 0 : i32
    %ne3A_26 = vector.broadcast %ne3A_25 : i32 to vector<16xi32>
    %ne3A_27 = arith.cmpi ne, %rem3A_24, %ne3A_26 : vector<16xi32>
    %and3A = arith.andi %ne3A_23, %ne3A_27 : vector<16xi1>
    %sub3A = arith.constant 1 : i32
    %sub3A_28 = vector.broadcast %sub3A : i32 to vector<16xi32>
    %sub3A_29 = arith.subi %div3A_7, %sub3A_28 : vector<16xi32>
    %select_n3A = arith.select %and3A, %sub3A_29, %div3A_7 : vector<16xi1>, vector<16xi32>
    %mul3A_30 = arith.constant 23 : i32
    %mul3A_31 = vector.broadcast %mul3A_30 : i32 to vector<16xi32>
    %mul3A_32 = arith.muli %select_n3A, %mul3A_31 : vector<16xi32>
    %mul3A_33 = arith.constant 12 : i32
    %mul3A_34 = vector.broadcast %mul3A_33 : i32 to vector<16xi32>
    %mul3A_35 = arith.muli %select_n3A, %mul3A_34 : vector<16xi32>
    %sub3A_36 = arith.subi %add3A_6, %mul3A_35 : vector<16xi32>
    %add3A_37 = arith.addi %mul3A_32, %sub3A_36 : vector<16xi32>
    %add3A_38 = arith.constant 16 : i32
    %add3A_39 = vector.broadcast %add3A_38 : i32 to vector<16xi32>
    %add3A_40 = arith.addi %iota3A, %add3A_39 : vector<16xi32>
    %jit3A_41 = arith.constant 12 : i32
    %div3A_42 = vector.broadcast %jit3A_41 : i32 to vector<16xi32>
    %div3A_43 = arith.divsi %add3A_40, %div3A_42 : vector<16xi32>
    %sign3A_44 = arith.constant 0 : i32
    %sign3A_45 = vector.broadcast %sign3A_44 : i32 to vector<16xi32>
    %sign3A_46 = arith.cmpi sgt, %add3A_40, %sign3A_45 : vector<16xi32>
    %sign3A_47 = arith.extui %sign3A_46 : vector<16xi1> to vector<16xi32>
    %sign3A_48 = arith.constant 0 : i32
    %sign3A_49 = vector.broadcast %sign3A_48 : i32 to vector<16xi32>
    %sign3A_50 = arith.cmpi slt, %add3A_40, %sign3A_49 : vector<16xi32>
    %sign3A_51 = arith.extui %sign3A_50 : vector<16xi1> to vector<16xi32>
    %sign3A_52 = arith.subi %sign3A_47, %sign3A_51 : vector<16xi32>
    %sign3A_53 = arith.constant 0 : i32
    %sign3A_54 = arith.cmpi sgt, %jit3A_41, %sign3A_53 : i32
    %sign3A_55 = arith.extui %sign3A_54 : i1 to i32
    %sign3A_56 = arith.constant 0 : i32
    %sign3A_57 = arith.cmpi slt, %jit3A_41, %sign3A_56 : i32
    %sign3A_58 = arith.extui %sign3A_57 : i1 to i32
    %sign3A_59 = arith.subi %sign3A_55, %sign3A_58 : i32
    %ne3A_60 = vector.broadcast %sign3A_59 : i32 to vector<16xi32>
    %ne3A_61 = arith.cmpi ne, %sign3A_52, %ne3A_60 : vector<16xi32>
    %rem3A_62 = vector.broadcast %jit3A_41 : i32 to vector<16xi32>
    %rem3A_63 = arith.remsi %add3A_40, %rem3A_62 : vector<16xi32>
    %ne3A_64 = arith.constant 0 : i32
    %ne3A_65 = vector.broadcast %ne3A_64 : i32 to vector<16xi32>
    %ne3A_66 = arith.cmpi ne, %rem3A_63, %ne3A_65 : vector<16xi32>
    %and3A_67 = arith.andi %ne3A_61, %ne3A_66 : vector<16xi1>
    %sub3A_68 = arith.constant 1 : i32
    %sub3A_69 = vector.broadcast %sub3A_68 : i32 to vector<16xi32>
    %sub3A_70 = arith.subi %div3A_43, %sub3A_69 : vector<16xi32>
    %select_n3A_71 = arith.select %and3A_67, %sub3A_70, %div3A_43 : vector<16xi1>, vector<16xi32>
    %mul3A_72 = arith.constant 23 : i32
    %mul3A_73 = vector.broadcast %mul3A_72 : i32 to vector<16xi32>
    %mul3A_74 = arith.muli %select_n3A_71, %mul3A_73 : vector<16xi32>
    %mul3A_75 = arith.constant 12 : i32
    %mul3A_76 = vector.broadcast %mul3A_75 : i32 to vector<16xi32>
    %mul3A_77 = arith.muli %select_n3A_71, %mul3A_76 : vector<16xi32>
    %sub3A_78 = arith.subi %add3A_40, %mul3A_77 : vector<16xi32>
    %add3A_79 = arith.addi %mul3A_74, %sub3A_78 : vector<16xi32>
    %add3A_80 = arith.constant 32 : i32
    %add3A_81 = vector.broadcast %add3A_80 : i32 to vector<16xi32>
    %add3A_82 = arith.addi %iota3A, %add3A_81 : vector<16xi32>
    %jit3A_83 = arith.constant 12 : i32
    %div3A_84 = vector.broadcast %jit3A_83 : i32 to vector<16xi32>
    %div3A_85 = arith.divsi %add3A_82, %div3A_84 : vector<16xi32>
    %sign3A_86 = arith.constant 0 : i32
    %sign3A_87 = vector.broadcast %sign3A_86 : i32 to vector<16xi32>
    %sign3A_88 = arith.cmpi sgt, %add3A_82, %sign3A_87 : vector<16xi32>
    %sign3A_89 = arith.extui %sign3A_88 : vector<16xi1> to vector<16xi32>
    %sign3A_90 = arith.constant 0 : i32
    %sign3A_91 = vector.broadcast %sign3A_90 : i32 to vector<16xi32>
    %sign3A_92 = arith.cmpi slt, %add3A_82, %sign3A_91 : vector<16xi32>
    %sign3A_93 = arith.extui %sign3A_92 : vector<16xi1> to vector<16xi32>
    %sign3A_94 = arith.subi %sign3A_89, %sign3A_93 : vector<16xi32>
    %sign3A_95 = arith.constant 0 : i32
    %sign3A_96 = arith.cmpi sgt, %jit3A_83, %sign3A_95 : i32
    %sign3A_97 = arith.extui %sign3A_96 : i1 to i32
    %sign3A_98 = arith.constant 0 : i32
    %sign3A_99 = arith.cmpi slt, %jit3A_83, %sign3A_98 : i32
    %sign3A_100 = arith.extui %sign3A_99 : i1 to i32
    %sign3A_101 = arith.subi %sign3A_97, %sign3A_100 : i32
    %ne3A_102 = vector.broadcast %sign3A_101 : i32 to vector<16xi32>
    %ne3A_103 = arith.cmpi ne, %sign3A_94, %ne3A_102 : vector<16xi32>
    %rem3A_104 = vector.broadcast %jit3A_83 : i32 to vector<16xi32>
    %rem3A_105 = arith.remsi %add3A_82, %rem3A_104 : vector<16xi32>
    %ne3A_106 = arith.constant 0 : i32
    %ne3A_107 = vector.broadcast %ne3A_106 : i32 to vector<16xi32>
    %ne3A_108 = arith.cmpi ne, %rem3A_105, %ne3A_107 : vector<16xi32>
    %and3A_109 = arith.andi %ne3A_103, %ne3A_108 : vector<16xi1>
    %sub3A_110 = arith.constant 1 : i32
    %sub3A_111 = vector.broadcast %sub3A_110 : i32 to vector<16xi32>
    %sub3A_112 = arith.subi %div3A_85, %sub3A_111 : vector<16xi32>
    %select_n3A_113 = arith.select %and3A_109, %sub3A_112, %div3A_85 : vector<16xi1>, vector<16xi32>
    %mul3A_114 = arith.constant 23 : i32
    %mul3A_115 = vector.broadcast %mul3A_114 : i32 to vector<16xi32>
    %mul3A_116 = arith.muli %select_n3A_113, %mul3A_115 : vector<16xi32>
    %mul3A_117 = arith.constant 12 : i32
    %mul3A_118 = vector.broadcast %mul3A_117 : i32 to vector<16xi32>
    %mul3A_119 = arith.muli %select_n3A_113, %mul3A_118 : vector<16xi32>
    %sub3A_120 = arith.subi %add3A_82, %mul3A_119 : vector<16xi32>
    %add3A_121 = arith.addi %mul3A_116, %sub3A_120 : vector<16xi32>
    %add3A_122 = arith.constant 48 : i32
    %add3A_123 = vector.broadcast %add3A_122 : i32 to vector<16xi32>
    %add3A_124 = arith.addi %iota3A, %add3A_123 : vector<16xi32>
    %jit3A_125 = arith.constant 12 : i32
    %div3A_126 = vector.broadcast %jit3A_125 : i32 to vector<16xi32>
    %div3A_127 = arith.divsi %add3A_124, %div3A_126 : vector<16xi32>
    %sign3A_128 = arith.constant 0 : i32
    %sign3A_129 = vector.broadcast %sign3A_128 : i32 to vector<16xi32>
    %sign3A_130 = arith.cmpi sgt, %add3A_124, %sign3A_129 : vector<16xi32>
    %sign3A_131 = arith.extui %sign3A_130 : vector<16xi1> to vector<16xi32>
    %sign3A_132 = arith.constant 0 : i32
    %sign3A_133 = vector.broadcast %sign3A_132 : i32 to vector<16xi32>
    %sign3A_134 = arith.cmpi slt, %add3A_124, %sign3A_133 : vector<16xi32>
    %sign3A_135 = arith.extui %sign3A_134 : vector<16xi1> to vector<16xi32>
    %sign3A_136 = arith.subi %sign3A_131, %sign3A_135 : vector<16xi32>
    %sign3A_137 = arith.constant 0 : i32
    %sign3A_138 = arith.cmpi sgt, %jit3A_125, %sign3A_137 : i32
    %sign3A_139 = arith.extui %sign3A_138 : i1 to i32
    %sign3A_140 = arith.constant 0 : i32
    %sign3A_141 = arith.cmpi slt, %jit3A_125, %sign3A_140 : i32
    %sign3A_142 = arith.extui %sign3A_141 : i1 to i32
    %sign3A_143 = arith.subi %sign3A_139, %sign3A_142 : i32
    %ne3A_144 = vector.broadcast %sign3A_143 : i32 to vector<16xi32>
    %ne3A_145 = arith.cmpi ne, %sign3A_136, %ne3A_144 : vector<16xi32>
    %rem3A_146 = vector.broadcast %jit3A_125 : i32 to vector<16xi32>
    %rem3A_147 = arith.remsi %add3A_124, %rem3A_146 : vector<16xi32>
    %ne3A_148 = arith.constant 0 : i32
    %ne3A_149 = vector.broadcast %ne3A_148 : i32 to vector<16xi32>
    %ne3A_150 = arith.cmpi ne, %rem3A_147, %ne3A_149 : vector<16xi32>
    %and3A_151 = arith.andi %ne3A_145, %ne3A_150 : vector<16xi1>
    %sub3A_152 = arith.constant 1 : i32
    %sub3A_153 = vector.broadcast %sub3A_152 : i32 to vector<16xi32>
    %sub3A_154 = arith.subi %div3A_127, %sub3A_153 : vector<16xi32>
    %select_n3A_155 = arith.select %and3A_151, %sub3A_154, %div3A_127 : vector<16xi1>, vector<16xi32>
    %mul3A_156 = arith.constant 23 : i32
    %mul3A_157 = vector.broadcast %mul3A_156 : i32 to vector<16xi32>
    %mul3A_158 = arith.muli %select_n3A_155, %mul3A_157 : vector<16xi32>
    %mul3A_159 = arith.constant 12 : i32
    %mul3A_160 = vector.broadcast %mul3A_159 : i32 to vector<16xi32>
    %mul3A_161 = arith.muli %select_n3A_155, %mul3A_160 : vector<16xi32>
    %sub3A_162 = arith.subi %add3A_124, %mul3A_161 : vector<16xi32>
    %add3A_163 = arith.addi %mul3A_158, %sub3A_162 : vector<16xi32>
    %add3A_164 = arith.constant 64 : i32
    %add3A_165 = vector.broadcast %add3A_164 : i32 to vector<16xi32>
    %add3A_166 = arith.addi %iota3A, %add3A_165 : vector<16xi32>
    %jit3A_167 = arith.constant 12 : i32
    %div3A_168 = vector.broadcast %jit3A_167 : i32 to vector<16xi32>
    %div3A_169 = arith.divsi %add3A_166, %div3A_168 : vector<16xi32>
    %sign3A_170 = arith.constant 0 : i32
    %sign3A_171 = vector.broadcast %sign3A_170 : i32 to vector<16xi32>
    %sign3A_172 = arith.cmpi sgt, %add3A_166, %sign3A_171 : vector<16xi32>
    %sign3A_173 = arith.extui %sign3A_172 : vector<16xi1> to vector<16xi32>
    %sign3A_174 = arith.constant 0 : i32
    %sign3A_175 = vector.broadcast %sign3A_174 : i32 to vector<16xi32>
    %sign3A_176 = arith.cmpi slt, %add3A_166, %sign3A_175 : vector<16xi32>
    %sign3A_177 = arith.extui %sign3A_176 : vector<16xi1> to vector<16xi32>
    %sign3A_178 = arith.subi %sign3A_173, %sign3A_177 : vector<16xi32>
    %sign3A_179 = arith.constant 0 : i32
    %sign3A_180 = arith.cmpi sgt, %jit3A_167, %sign3A_179 : i32
    %sign3A_181 = arith.extui %sign3A_180 : i1 to i32
    %sign3A_182 = arith.constant 0 : i32
    %sign3A_183 = arith.cmpi slt, %jit3A_167, %sign3A_182 : i32
    %sign3A_184 = arith.extui %sign3A_183 : i1 to i32
    %sign3A_185 = arith.subi %sign3A_181, %sign3A_184 : i32
    %ne3A_186 = vector.broadcast %sign3A_185 : i32 to vector<16xi32>
    %ne3A_187 = arith.cmpi ne, %sign3A_178, %ne3A_186 : vector<16xi32>
    %rem3A_188 = vector.broadcast %jit3A_167 : i32 to vector<16xi32>
    %rem3A_189 = arith.remsi %add3A_166, %rem3A_188 : vector<16xi32>
    %ne3A_190 = arith.constant 0 : i32
    %ne3A_191 = vector.broadcast %ne3A_190 : i32 to vector<16xi32>
    %ne3A_192 = arith.cmpi ne, %rem3A_189, %ne3A_191 : vector<16xi32>
    %and3A_193 = arith.andi %ne3A_187, %ne3A_192 : vector<16xi1>
    %sub3A_194 = arith.constant 1 : i32
    %sub3A_195 = vector.broadcast %sub3A_194 : i32 to vector<16xi32>
    %sub3A_196 = arith.subi %div3A_169, %sub3A_195 : vector<16xi32>
    %select_n3A_197 = arith.select %and3A_193, %sub3A_196, %div3A_169 : vector<16xi1>, vector<16xi32>
    %mul3A_198 = arith.constant 23 : i32
    %mul3A_199 = vector.broadcast %mul3A_198 : i32 to vector<16xi32>
    %mul3A_200 = arith.muli %select_n3A_197, %mul3A_199 : vector<16xi32>
    %mul3A_201 = arith.constant 12 : i32
    %mul3A_202 = vector.broadcast %mul3A_201 : i32 to vector<16xi32>
    %mul3A_203 = arith.muli %select_n3A_197, %mul3A_202 : vector<16xi32>
    %sub3A_204 = arith.subi %add3A_166, %mul3A_203 : vector<16xi32>
    %add3A_205 = arith.addi %mul3A_200, %sub3A_204 : vector<16xi32>
    %add3A_206 = arith.constant 80 : i32
    %add3A_207 = vector.broadcast %add3A_206 : i32 to vector<16xi32>
    %add3A_208 = arith.addi %iota3A, %add3A_207 : vector<16xi32>
    %jit3A_209 = arith.constant 12 : i32
    %div3A_210 = vector.broadcast %jit3A_209 : i32 to vector<16xi32>
    %div3A_211 = arith.divsi %add3A_208, %div3A_210 : vector<16xi32>
    %sign3A_212 = arith.constant 0 : i32
    %sign3A_213 = vector.broadcast %sign3A_212 : i32 to vector<16xi32>
    %sign3A_214 = arith.cmpi sgt, %add3A_208, %sign3A_213 : vector<16xi32>
    %sign3A_215 = arith.extui %sign3A_214 : vector<16xi1> to vector<16xi32>
    %sign3A_216 = arith.constant 0 : i32
    %sign3A_217 = vector.broadcast %sign3A_216 : i32 to vector<16xi32>
    %sign3A_218 = arith.cmpi slt, %add3A_208, %sign3A_217 : vector<16xi32>
    %sign3A_219 = arith.extui %sign3A_218 : vector<16xi1> to vector<16xi32>
    %sign3A_220 = arith.subi %sign3A_215, %sign3A_219 : vector<16xi32>
    %sign3A_221 = arith.constant 0 : i32
    %sign3A_222 = arith.cmpi sgt, %jit3A_209, %sign3A_221 : i32
    %sign3A_223 = arith.extui %sign3A_222 : i1 to i32
    %sign3A_224 = arith.constant 0 : i32
    %sign3A_225 = arith.cmpi slt, %jit3A_209, %sign3A_224 : i32
    %sign3A_226 = arith.extui %sign3A_225 : i1 to i32
    %sign3A_227 = arith.subi %sign3A_223, %sign3A_226 : i32
    %ne3A_228 = vector.broadcast %sign3A_227 : i32 to vector<16xi32>
    %ne3A_229 = arith.cmpi ne, %sign3A_220, %ne3A_228 : vector<16xi32>
    %rem3A_230 = vector.broadcast %jit3A_209 : i32 to vector<16xi32>
    %rem3A_231 = arith.remsi %add3A_208, %rem3A_230 : vector<16xi32>
    %ne3A_232 = arith.constant 0 : i32
    %ne3A_233 = vector.broadcast %ne3A_232 : i32 to vector<16xi32>
    %ne3A_234 = arith.cmpi ne, %rem3A_231, %ne3A_233 : vector<16xi32>
    %and3A_235 = arith.andi %ne3A_229, %ne3A_234 : vector<16xi1>
    %sub3A_236 = arith.constant 1 : i32
    %sub3A_237 = vector.broadcast %sub3A_236 : i32 to vector<16xi32>
    %sub3A_238 = arith.subi %div3A_211, %sub3A_237 : vector<16xi32>
    %select_n3A_239 = arith.select %and3A_235, %sub3A_238, %div3A_211 : vector<16xi1>, vector<16xi32>
    %mul3A_240 = arith.constant 23 : i32
    %mul3A_241 = vector.broadcast %mul3A_240 : i32 to vector<16xi32>
    %mul3A_242 = arith.muli %select_n3A_239, %mul3A_241 : vector<16xi32>
    %mul3A_243 = arith.constant 12 : i32
    %mul3A_244 = vector.broadcast %mul3A_243 : i32 to vector<16xi32>
    %mul3A_245 = arith.muli %select_n3A_239, %mul3A_244 : vector<16xi32>
    %sub3A_246 = arith.subi %add3A_208, %mul3A_245 : vector<16xi32>
    %add3A_247 = arith.addi %mul3A_242, %sub3A_246 : vector<16xi32>
    %add3A_248 = arith.constant 96 : i32
    %add3A_249 = vector.broadcast %add3A_248 : i32 to vector<16xi32>
    %add3A_250 = arith.addi %iota3A, %add3A_249 : vector<16xi32>
    %jit3A_251 = arith.constant 12 : i32
    %div3A_252 = vector.broadcast %jit3A_251 : i32 to vector<16xi32>
    %div3A_253 = arith.divsi %add3A_250, %div3A_252 : vector<16xi32>
    %sign3A_254 = arith.constant 0 : i32
    %sign3A_255 = vector.broadcast %sign3A_254 : i32 to vector<16xi32>
    %sign3A_256 = arith.cmpi sgt, %add3A_250, %sign3A_255 : vector<16xi32>
    %sign3A_257 = arith.extui %sign3A_256 : vector<16xi1> to vector<16xi32>
    %sign3A_258 = arith.constant 0 : i32
    %sign3A_259 = vector.broadcast %sign3A_258 : i32 to vector<16xi32>
    %sign3A_260 = arith.cmpi slt, %add3A_250, %sign3A_259 : vector<16xi32>
    %sign3A_261 = arith.extui %sign3A_260 : vector<16xi1> to vector<16xi32>
    %sign3A_262 = arith.subi %sign3A_257, %sign3A_261 : vector<16xi32>
    %sign3A_263 = arith.constant 0 : i32
    %sign3A_264 = arith.cmpi sgt, %jit3A_251, %sign3A_263 : i32
    %sign3A_265 = arith.extui %sign3A_264 : i1 to i32
    %sign3A_266 = arith.constant 0 : i32
    %sign3A_267 = arith.cmpi slt, %jit3A_251, %sign3A_266 : i32
    %sign3A_268 = arith.extui %sign3A_267 : i1 to i32
    %sign3A_269 = arith.subi %sign3A_265, %sign3A_268 : i32
    %ne3A_270 = vector.broadcast %sign3A_269 : i32 to vector<16xi32>
    %ne3A_271 = arith.cmpi ne, %sign3A_262, %ne3A_270 : vector<16xi32>
    %rem3A_272 = vector.broadcast %jit3A_251 : i32 to vector<16xi32>
    %rem3A_273 = arith.remsi %add3A_250, %rem3A_272 : vector<16xi32>
    %ne3A_274 = arith.constant 0 : i32
    %ne3A_275 = vector.broadcast %ne3A_274 : i32 to vector<16xi32>
    %ne3A_276 = arith.cmpi ne, %rem3A_273, %ne3A_275 : vector<16xi32>
    %and3A_277 = arith.andi %ne3A_271, %ne3A_276 : vector<16xi1>
    %sub3A_278 = arith.constant 1 : i32
    %sub3A_279 = vector.broadcast %sub3A_278 : i32 to vector<16xi32>
    %sub3A_280 = arith.subi %div3A_253, %sub3A_279 : vector<16xi32>
    %select_n3A_281 = arith.select %and3A_277, %sub3A_280, %div3A_253 : vector<16xi1>, vector<16xi32>
    %mul3A_282 = arith.constant 23 : i32
    %mul3A_283 = vector.broadcast %mul3A_282 : i32 to vector<16xi32>
    %mul3A_284 = arith.muli %select_n3A_281, %mul3A_283 : vector<16xi32>
    %mul3A_285 = arith.constant 12 : i32
    %mul3A_286 = vector.broadcast %mul3A_285 : i32 to vector<16xi32>
    %mul3A_287 = arith.muli %select_n3A_281, %mul3A_286 : vector<16xi32>
    %sub3A_288 = arith.subi %add3A_250, %mul3A_287 : vector<16xi32>
    %add3A_289 = arith.addi %mul3A_284, %sub3A_288 : vector<16xi32>
    %add3A_290 = arith.constant 112 : i32
    %add3A_291 = vector.broadcast %add3A_290 : i32 to vector<16xi32>
    %add3A_292 = arith.addi %iota3A, %add3A_291 : vector<16xi32>
    %jit3A_293 = arith.constant 12 : i32
    %div3A_294 = vector.broadcast %jit3A_293 : i32 to vector<16xi32>
    %div3A_295 = arith.divsi %add3A_292, %div3A_294 : vector<16xi32>
    %sign3A_296 = arith.constant 0 : i32
    %sign3A_297 = vector.broadcast %sign3A_296 : i32 to vector<16xi32>
    %sign3A_298 = arith.cmpi sgt, %add3A_292, %sign3A_297 : vector<16xi32>
    %sign3A_299 = arith.extui %sign3A_298 : vector<16xi1> to vector<16xi32>
    %sign3A_300 = arith.constant 0 : i32
    %sign3A_301 = vector.broadcast %sign3A_300 : i32 to vector<16xi32>
    %sign3A_302 = arith.cmpi slt, %add3A_292, %sign3A_301 : vector<16xi32>
    %sign3A_303 = arith.extui %sign3A_302 : vector<16xi1> to vector<16xi32>
    %sign3A_304 = arith.subi %sign3A_299, %sign3A_303 : vector<16xi32>
    %sign3A_305 = arith.constant 0 : i32
    %sign3A_306 = arith.cmpi sgt, %jit3A_293, %sign3A_305 : i32
    %sign3A_307 = arith.extui %sign3A_306 : i1 to i32
    %sign3A_308 = arith.constant 0 : i32
    %sign3A_309 = arith.cmpi slt, %jit3A_293, %sign3A_308 : i32
    %sign3A_310 = arith.extui %sign3A_309 : i1 to i32
    %sign3A_311 = arith.subi %sign3A_307, %sign3A_310 : i32
    %ne3A_312 = vector.broadcast %sign3A_311 : i32 to vector<16xi32>
    %ne3A_313 = arith.cmpi ne, %sign3A_304, %ne3A_312 : vector<16xi32>
    %rem3A_314 = vector.broadcast %jit3A_293 : i32 to vector<16xi32>
    %rem3A_315 = arith.remsi %add3A_292, %rem3A_314 : vector<16xi32>
    %ne3A_316 = arith.constant 0 : i32
    %ne3A_317 = vector.broadcast %ne3A_316 : i32 to vector<16xi32>
    %ne3A_318 = arith.cmpi ne, %rem3A_315, %ne3A_317 : vector<16xi32>
    %and3A_319 = arith.andi %ne3A_313, %ne3A_318 : vector<16xi1>
    %sub3A_320 = arith.constant 1 : i32
    %sub3A_321 = vector.broadcast %sub3A_320 : i32 to vector<16xi32>
    %sub3A_322 = arith.subi %div3A_295, %sub3A_321 : vector<16xi32>
    %select_n3A_323 = arith.select %and3A_319, %sub3A_322, %div3A_295 : vector<16xi1>, vector<16xi32>
    %mul3A_324 = arith.constant 23 : i32
    %mul3A_325 = vector.broadcast %mul3A_324 : i32 to vector<16xi32>
    %mul3A_326 = arith.muli %select_n3A_323, %mul3A_325 : vector<16xi32>
    %mul3A_327 = arith.constant 12 : i32
    %mul3A_328 = vector.broadcast %mul3A_327 : i32 to vector<16xi32>
    %mul3A_329 = arith.muli %select_n3A_323, %mul3A_328 : vector<16xi32>
    %sub3A_330 = arith.subi %add3A_292, %mul3A_329 : vector<16xi32>
    %add3A_331 = arith.addi %mul3A_326, %sub3A_330 : vector<16xi32>
    %add3A_332 = arith.constant 128 : i32
    %add3A_333 = vector.broadcast %add3A_332 : i32 to vector<16xi32>
    %add3A_334 = arith.addi %iota3A, %add3A_333 : vector<16xi32>
    %jit3A_335 = arith.constant 12 : i32
    %div3A_336 = vector.broadcast %jit3A_335 : i32 to vector<16xi32>
    %div3A_337 = arith.divsi %add3A_334, %div3A_336 : vector<16xi32>
    %sign3A_338 = arith.constant 0 : i32
    %sign3A_339 = vector.broadcast %sign3A_338 : i32 to vector<16xi32>
    %sign3A_340 = arith.cmpi sgt, %add3A_334, %sign3A_339 : vector<16xi32>
    %sign3A_341 = arith.extui %sign3A_340 : vector<16xi1> to vector<16xi32>
    %sign3A_342 = arith.constant 0 : i32
    %sign3A_343 = vector.broadcast %sign3A_342 : i32 to vector<16xi32>
    %sign3A_344 = arith.cmpi slt, %add3A_334, %sign3A_343 : vector<16xi32>
    %sign3A_345 = arith.extui %sign3A_344 : vector<16xi1> to vector<16xi32>
    %sign3A_346 = arith.subi %sign3A_341, %sign3A_345 : vector<16xi32>
    %sign3A_347 = arith.constant 0 : i32
    %sign3A_348 = arith.cmpi sgt, %jit3A_335, %sign3A_347 : i32
    %sign3A_349 = arith.extui %sign3A_348 : i1 to i32
    %sign3A_350 = arith.constant 0 : i32
    %sign3A_351 = arith.cmpi slt, %jit3A_335, %sign3A_350 : i32
    %sign3A_352 = arith.extui %sign3A_351 : i1 to i32
    %sign3A_353 = arith.subi %sign3A_349, %sign3A_352 : i32
    %ne3A_354 = vector.broadcast %sign3A_353 : i32 to vector<16xi32>
    %ne3A_355 = arith.cmpi ne, %sign3A_346, %ne3A_354 : vector<16xi32>
    %rem3A_356 = vector.broadcast %jit3A_335 : i32 to vector<16xi32>
    %rem3A_357 = arith.remsi %add3A_334, %rem3A_356 : vector<16xi32>
    %ne3A_358 = arith.constant 0 : i32
    %ne3A_359 = vector.broadcast %ne3A_358 : i32 to vector<16xi32>
    %ne3A_360 = arith.cmpi ne, %rem3A_357, %ne3A_359 : vector<16xi32>
    %and3A_361 = arith.andi %ne3A_355, %ne3A_360 : vector<16xi1>
    %sub3A_362 = arith.constant 1 : i32
    %sub3A_363 = vector.broadcast %sub3A_362 : i32 to vector<16xi32>
    %sub3A_364 = arith.subi %div3A_337, %sub3A_363 : vector<16xi32>
    %select_n3A_365 = arith.select %and3A_361, %sub3A_364, %div3A_337 : vector<16xi1>, vector<16xi32>
    %mul3A_366 = arith.constant 23 : i32
    %mul3A_367 = vector.broadcast %mul3A_366 : i32 to vector<16xi32>
    %mul3A_368 = arith.muli %select_n3A_365, %mul3A_367 : vector<16xi32>
    %mul3A_369 = arith.constant 12 : i32
    %mul3A_370 = vector.broadcast %mul3A_369 : i32 to vector<16xi32>
    %mul3A_371 = arith.muli %select_n3A_365, %mul3A_370 : vector<16xi32>
    %sub3A_372 = arith.subi %add3A_334, %mul3A_371 : vector<16xi32>
    %add3A_373 = arith.addi %mul3A_368, %sub3A_372 : vector<16xi32>
    %parallel_loop3A = arith.constant 0 : i32
    %parallel_loop3A_374 = arith.constant 72 : i32
    %parallel_loop3A_375 = arith.constant 1 : i32
    scf.for %parallel_loop3A_405 = %parallel_loop3A to %parallel_loop3A_374 step %parallel_loop3A_375  : i32 {
      %parallel_loop3A_406 = arith.constant 12 : i32
      %parallel_loop3A_407 = arith.divsi %parallel_loop3A_405, %parallel_loop3A_406 : i32
      %parallel_loop3A_408 = arith.constant 0 : i32
      %parallel_loop3A_409 = arith.cmpi sgt, %parallel_loop3A_405, %parallel_loop3A_408 : i32
      %parallel_loop3A_410 = arith.extui %parallel_loop3A_409 : i1 to i32
      %parallel_loop3A_411 = arith.constant 0 : i32
      %parallel_loop3A_412 = arith.cmpi slt, %parallel_loop3A_405, %parallel_loop3A_411 : i32
      %parallel_loop3A_413 = arith.extui %parallel_loop3A_412 : i1 to i32
      %parallel_loop3A_414 = arith.subi %parallel_loop3A_410, %parallel_loop3A_413 : i32
      %parallel_loop3A_415 = arith.constant 0 : i32
      %parallel_loop3A_416 = arith.cmpi sgt, %parallel_loop3A_406, %parallel_loop3A_415 : i32
      %parallel_loop3A_417 = arith.extui %parallel_loop3A_416 : i1 to i32
      %parallel_loop3A_418 = arith.constant 0 : i32
      %parallel_loop3A_419 = arith.cmpi slt, %parallel_loop3A_406, %parallel_loop3A_418 : i32
      %parallel_loop3A_420 = arith.extui %parallel_loop3A_419 : i1 to i32
      %parallel_loop3A_421 = arith.subi %parallel_loop3A_417, %parallel_loop3A_420 : i32
      %parallel_loop3A_422 = arith.cmpi ne, %parallel_loop3A_414, %parallel_loop3A_421 : i32
      %parallel_loop3A_423 = arith.remsi %parallel_loop3A_405, %parallel_loop3A_406 : i32
      %parallel_loop3A_424 = arith.constant 0 : i32
      %parallel_loop3A_425 = arith.cmpi ne, %parallel_loop3A_423, %parallel_loop3A_424 : i32
      %parallel_loop3A_426 = arith.andi %parallel_loop3A_422, %parallel_loop3A_425 : i1
      %parallel_loop3A_427 = arith.constant 1 : i32
      %parallel_loop3A_428 = arith.subi %parallel_loop3A_407, %parallel_loop3A_427 : i32
      %parallel_loop3A_429 = arith.select %parallel_loop3A_426, %parallel_loop3A_428, %parallel_loop3A_407 : i32
      %parallel_loop3A_430 = arith.constant 12 : i32
      %parallel_loop3A_431 = arith.addi %parallel_loop3A_429, %parallel_loop3A_430 : i32
      %parallel_loop3A_432 = arith.constant 1 : i32
      %parallel_loop3A_433 = arith.subi %parallel_loop3A_431, %parallel_loop3A_432 : i32
      %parallel_loop3A_434 = arith.constant 23 : i32
      %parallel_loop3A_435 = arith.muli %parallel_loop3A_433, %parallel_loop3A_434 : i32
      %parallel_loop3A_436 = arith.constant 12 : i32
      %parallel_loop3A_437 = arith.muli %parallel_loop3A_429, %parallel_loop3A_436 : i32
      %parallel_loop3A_438 = arith.subi %parallel_loop3A_405, %parallel_loop3A_437 : i32
      %parallel_loop3A_439 = arith.addi %parallel_loop3A_435, %parallel_loop3A_438 : i32
      %parallel_loop3A_440 = arith.constant 12 : i32
      %parallel_loop3A_441 = arith.addi %parallel_loop3A_439, %parallel_loop3A_440 : i32
      %parallel_loop3A_442 = arith.constant 1 : i32
      %parallel_loop3A_443 = arith.subi %parallel_loop3A_441, %parallel_loop3A_442 : i32
      %parallel_loop3A_444 = vector.broadcast %parallel_loop3A_443 : i32 to vector<16xi32>
      %parallel_loop3A_445 = arith.subi %parallel_loop3A_444, %add3A_37 : vector<16xi32>
      %parallel_loop3A_446 = tpu.vector_load_idx %arg4[%mul3A_3, %parallel_loop3A_445] : memref<1x529xf32, #tpu.memory_space<vmem>>[vector<16xi32>, vector<16xi32>], vector<16xf32>,
      %parallel_loop3A_447 = arith.index_cast %parallel_loop3A_405 : i32 to index
      %parallel_loop3A_448 = arith.constant 0 : index
      %parallel_loop3A_449 = tpu.vector_load %arg5[%parallel_loop3A_447, %parallel_loop3A_448] {strides = array<i32>} : memref<144x144xf32, #tpu.memory_space<vmem>>, vector<16xf32>,
      tpu.vector_store %arg5[%parallel_loop3A_447, %parallel_loop3A_448], %parallel_loop3A_446 {strides = array<i32>} : memref<144x144xf32, #tpu.memory_space<vmem>>, vector<16xf32>,
      %parallel_loop3A_450 = vector.broadcast %parallel_loop3A_443 : i32 to vector<16xi32>
      %parallel_loop3A_451 = arith.subi %parallel_loop3A_450, %add3A_79 : vector<16xi32>
      %parallel_loop3A_452 = tpu.vector_load_idx %arg4[%mul3A_3, %parallel_loop3A_451] : memref<1x529xf32, #tpu.memory_space<vmem>>[vector<16xi32>, vector<16xi32>], vector<16xf32>,
      %parallel_loop3A_453 = arith.index_cast %parallel_loop3A_405 : i32 to index
      %parallel_loop3A_454 = arith.constant 16 : index
      %parallel_loop3A_455 = tpu.vector_load %arg5[%parallel_loop3A_453, %parallel_loop3A_454] {strides = array<i32>} : memref<144x144xf32, #tpu.memory_space<vmem>>, vector<16xf32>,
      tpu.vector_store %arg5[%parallel_loop3A_453, %parallel_loop3A_454], %parallel_loop3A_452 {strides = array<i32>} : memref<144x144xf32, #tpu.memory_space<vmem>>, vector<16xf32>,
      %parallel_loop3A_456 = vector.broadcast %parallel_loop3A_443 : i32 to vector<16xi32>
      %parallel_loop3A_457 = arith.subi %parallel_loop3A_456, %add3A_121 : vector<16xi32>
      %parallel_loop3A_458 = tpu.vector_load_idx %arg4[%mul3A_3, %parallel_loop3A_457] : memref<1x529xf32, #tpu.memory_space<vmem>>[vector<16xi32>, vector<16xi32>], vector<16xf32>,
      %parallel_loop3A_459 = arith.index_cast %parallel_loop3A_405 : i32 to index
      %parallel_loop3A_460 = arith.constant 32 : index
      %parallel_loop3A_461 = tpu.vector_load %arg5[%parallel_loop3A_459, %parallel_loop3A_460] {strides = array<i32>} : memref<144x144xf32, #tpu.memory_space<vmem>>, vector<16xf32>,
      tpu.vector_store %arg5[%parallel_loop3A_459, %parallel_loop3A_460], %parallel_loop3A_458 {strides = array<i32>} : memref<144x144xf32, #tpu.memory_space<vmem>>, vector<16xf32>,
      %parallel_loop3A_462 = vector.broadcast %parallel_loop3A_443 : i32 to vector<16xi32>
      %parallel_loop3A_463 = arith.subi %parallel_loop3A_462, %add3A_163 : vector<16xi32>
      %parallel_loop3A_464 = tpu.vector_load_idx %arg4[%mul3A_3, %parallel_loop3A_463] : memref<1x529xf32, #tpu.memory_space<vmem>>[vector<16xi32>, vector<16xi32>], vector<16xf32>,
      %parallel_loop3A_465 = arith.index_cast %parallel_loop3A_405 : i32 to index
      %parallel_loop3A_466 = arith.constant 48 : index
      %parallel_loop3A_467 = tpu.vector_load %arg5[%parallel_loop3A_465, %parallel_loop3A_466] {strides = array<i32>} : memref<144x144xf32, #tpu.memory_space<vmem>>, vector<16xf32>,
      tpu.vector_store %arg5[%parallel_loop3A_465, %parallel_loop3A_466], %parallel_loop3A_464 {strides = array<i32>} : memref<144x144xf32, #tpu.memory_space<vmem>>, vector<16xf32>,
      %parallel_loop3A_468 = vector.broadcast %parallel_loop3A_443 : i32 to vector<16xi32>
      %parallel_loop3A_469 = arith.subi %parallel_loop3A_468, %add3A_205 : vector<16xi32>
      %parallel_loop3A_470 = tpu.vector_load_idx %arg4[%mul3A_3, %parallel_loop3A_469] : memref<1x529xf32, #tpu.memory_space<vmem>>[vector<16xi32>, vector<16xi32>], vector<16xf32>,
      %parallel_loop3A_471 = arith.index_cast %parallel_loop3A_405 : i32 to index
      %parallel_loop3A_472 = arith.constant 64 : index
      %parallel_loop3A_473 = tpu.vector_load %arg5[%parallel_loop3A_471, %parallel_loop3A_472] {strides = array<i32>} : memref<144x144xf32, #tpu.memory_space<vmem>>, vector<16xf32>,
      tpu.vector_store %arg5[%parallel_loop3A_471, %parallel_loop3A_472], %parallel_loop3A_470 {strides = array<i32>} : memref<144x144xf32, #tpu.memory_space<vmem>>, vector<16xf32>,
      %parallel_loop3A_474 = vector.broadcast %parallel_loop3A_443 : i32 to vector<16xi32>
      %parallel_loop3A_475 = arith.subi %parallel_loop3A_474, %add3A_247 : vector<16xi32>
      %parallel_loop3A_476 = tpu.vector_load_idx %arg4[%mul3A_3, %parallel_loop3A_475] : memref<1x529xf32, #tpu.memory_space<vmem>>[vector<16xi32>, vector<16xi32>], vector<16xf32>,
      %parallel_loop3A_477 = arith.index_cast %parallel_loop3A_405 : i32 to index
      %parallel_loop3A_478 = arith.constant 80 : index
      %parallel_loop3A_479 = tpu.vector_load %arg5[%parallel_loop3A_477, %parallel_loop3A_478] {strides = array<i32>} : memref<144x144xf32, #tpu.memory_space<vmem>>, vector<16xf32>,
      tpu.vector_store %arg5[%parallel_loop3A_477, %parallel_loop3A_478], %parallel_loop3A_476 {strides = array<i32>} : memref<144x144xf32, #tpu.memory_space<vmem>>, vector<16xf32>,
      %parallel_loop3A_480 = vector.broadcast %parallel_loop3A_443 : i32 to vector<16xi32>
      %parallel_loop3A_481 = arith.subi %parallel_loop3A_480, %add3A_289 : vector<16xi32>
      %parallel_loop3A_482 = tpu.vector_load_idx %arg4[%mul3A_3, %parallel_loop3A_481] : memref<1x529xf32, #tpu.memory_space<vmem>>[vector<16xi32>, vector<16xi32>], vector<16xf32>,
      %parallel_loop3A_483 = arith.index_cast %parallel_loop3A_405 : i32 to index
      %parallel_loop3A_484 = arith.constant 96 : index
      %parallel_loop3A_485 = tpu.vector_load %arg5[%parallel_loop3A_483, %parallel_loop3A_484] {strides = array<i32>} : memref<144x144xf32, #tpu.memory_space<vmem>>, vector<16xf32>,
      tpu.vector_store %arg5[%parallel_loop3A_483, %parallel_loop3A_484], %parallel_loop3A_482 {strides = array<i32>} : memref<144x144xf32, #tpu.memory_space<vmem>>, vector<16xf32>,
      %parallel_loop3A_486 = vector.broadcast %parallel_loop3A_443 : i32 to vector<16xi32>
      %parallel_loop3A_487 = arith.subi %parallel_loop3A_486, %add3A_331 : vector<16xi32>
      %parallel_loop3A_488 = tpu.vector_load_idx %arg4[%mul3A_3, %parallel_loop3A_487] : memref<1x529xf32, #tpu.memory_space<vmem>>[vector<16xi32>, vector<16xi32>], vector<16xf32>,
      %parallel_loop3A_489 = arith.index_cast %parallel_loop3A_405 : i32 to index
      %parallel_loop3A_490 = arith.constant 112 : index
      %parallel_loop3A_491 = tpu.vector_load %arg5[%parallel_loop3A_489, %parallel_loop3A_490] {strides = array<i32>} : memref<144x144xf32, #tpu.memory_space<vmem>>, vector<16xf32>,
      tpu.vector_store %arg5[%parallel_loop3A_489, %parallel_loop3A_490], %parallel_loop3A_488 {strides = array<i32>} : memref<144x144xf32, #tpu.memory_space<vmem>>, vector<16xf32>,
      %parallel_loop3A_492 = vector.broadcast %parallel_loop3A_443 : i32 to vector<16xi32>
      %parallel_loop3A_493 = arith.subi %parallel_loop3A_492, %add3A_373 : vector<16xi32>
      %parallel_loop3A_494 = tpu.vector_load_idx %arg4[%mul3A_3, %parallel_loop3A_493] : memref<1x529xf32, #tpu.memory_space<vmem>>[vector<16xi32>, vector<16xi32>], vector<16xf32>,
      %parallel_loop3A_495 = arith.index_cast %parallel_loop3A_405 : i32 to index
      %parallel_loop3A_496 = arith.constant 128 : index
      %parallel_loop3A_497 = tpu.vector_load %arg5[%parallel_loop3A_495, %parallel_loop3A_496] {strides = array<i32>} : memref<144x144xf32, #tpu.memory_space<vmem>>, vector<16xf32>,
      tpu.vector_store %arg5[%parallel_loop3A_495, %parallel_loop3A_496], %parallel_loop3A_494 {strides = array<i32>} : memref<144x144xf32, #tpu.memory_space<vmem>>, vector<16xf32>,
    } {sc.loop_unroll_factor = 4 : i64, sc.parallel_access}
    %dma_start3A = arith.constant 0 : i32
    %dma_start3A_376 = arith.constant 0 : i32
    %dma_start3A_377 = tpu.memref_slice %arg5[%dma_start3A, %dma_start3A_376] : memref<144x144xf32, #tpu.memory_space<vmem>> -> memref<72x144xf32, #tpu.memory_space<vmem>>
    %dma_start3A_378 = arith.constant 0 : i32
    %dma_start3A_379 = arith.constant 0 : i32
    %dma_start3A_380 = tpu.memref_slice %arg3[%add3A, %dma_start3A_378, %dma_start3A_379] : memref<32x144x144xf32, #tpu.memory_space<hbm>> -> memref<1x72x144xf32, #tpu.memory_space<hbm>>
    %dma_start3A_381 = tpu.memref_squeeze %dma_start3A_380 : memref<1x72x144xf32, #tpu.memory_space<hbm>> -> memref<72x144xf32, #tpu.memory_space<hbm>>
    %dma_start3A_382 = arith.constant 0 : i32
    %dma_start3A_383 = arith.constant 0 : i32
    %dma_start3A_384 = tpu.memref_slice %arg3[%add3A, %dma_start3A_382, %dma_start3A_383] : memref<32x144x144xf32, #tpu.memory_space<hbm>> -> memref<1x72x144xf32, #tpu.memory_space<hbm>>
    %dma_start3A_385 = tpu.memref_squeeze %dma_start3A_384 : memref<1x72x144xf32, #tpu.memory_space<hbm>> -> memref<72x144xf32, #tpu.memory_space<hbm>>
    %dma_start3A_386 = arith.constant 0 : i32
    %dma_start3A_387 = arith.constant 0 : i32
    %dma_start3A_388 = tpu.memref_slice %arg5[%dma_start3A_386, %dma_start3A_387] : memref<144x144xf32, #tpu.memory_space<vmem>> -> memref<72x144xf32, #tpu.memory_space<vmem>>
    tpu.enqueue_dma source(%dma_start3A_388 : memref<72x144xf32, #tpu.memory_space<vmem>>) target(%dma_start3A_385 : memref<72x144xf32, #tpu.memory_space<hbm>>) target_semaphore(%arg6 : memref<!tpu.dma_semaphore, #tpu.memory_space<semaphore_mem>>)
    %parallel_loop3A_389 = arith.constant 72 : i32
    %parallel_loop3A_390 = arith.constant 144 : i32
    %parallel_loop3A_391 = arith.constant 1 : i32
    scf.for %parallel_loop3A_405 = %parallel_loop3A_389 to %parallel_loop3A_390 step %parallel_loop3A_391  : i32 {
      %parallel_loop3A_406 = arith.constant 12 : i32
      %parallel_loop3A_407 = arith.divsi %parallel_loop3A_405, %parallel_loop3A_406 : i32
      %parallel_loop3A_408 = arith.constant 0 : i32
      %parallel_loop3A_409 = arith.cmpi sgt, %parallel_loop3A_405, %parallel_loop3A_408 : i32
      %parallel_loop3A_410 = arith.extui %parallel_loop3A_409 : i1 to i32
      %parallel_loop3A_411 = arith.constant 0 : i32
      %parallel_loop3A_412 = arith.cmpi slt, %parallel_loop3A_405, %parallel_loop3A_411 : i32
      %parallel_loop3A_413 = arith.extui %parallel_loop3A_412 : i1 to i32
      %parallel_loop3A_414 = arith.subi %parallel_loop3A_410, %parallel_loop3A_413 : i32
      %parallel_loop3A_415 = arith.constant 0 : i32
      %parallel_loop3A_416 = arith.cmpi sgt, %parallel_loop3A_406, %parallel_loop3A_415 : i32
      %parallel_loop3A_417 = arith.extui %parallel_loop3A_416 : i1 to i32
      %parallel_loop3A_418 = arith.constant 0 : i32
      %parallel_loop3A_419 = arith.cmpi slt, %parallel_loop3A_406, %parallel_loop3A_418 : i32
      %parallel_loop3A_420 = arith.extui %parallel_loop3A_419 : i1 to i32
      %parallel_loop3A_421 = arith.subi %parallel_loop3A_417, %parallel_loop3A_420 : i32
      %parallel_loop3A_422 = arith.cmpi ne, %parallel_loop3A_414, %parallel_loop3A_421 : i32
      %parallel_loop3A_423 = arith.remsi %parallel_loop3A_405, %parallel_loop3A_406 : i32
      %parallel_loop3A_424 = arith.constant 0 : i32
      %parallel_loop3A_425 = arith.cmpi ne, %parallel_loop3A_423, %parallel_loop3A_424 : i32
      %parallel_loop3A_426 = arith.andi %parallel_loop3A_422, %parallel_loop3A_425 : i1
      %parallel_loop3A_427 = arith.constant 1 : i32
      %parallel_loop3A_428 = arith.subi %parallel_loop3A_407, %parallel_loop3A_427 : i32
      %parallel_loop3A_429 = arith.select %parallel_loop3A_426, %parallel_loop3A_428, %parallel_loop3A_407 : i32
      %parallel_loop3A_430 = arith.constant 12 : i32
      %parallel_loop3A_431 = arith.addi %parallel_loop3A_429, %parallel_loop3A_430 : i32
      %parallel_loop3A_432 = arith.constant 1 : i32
      %parallel_loop3A_433 = arith.subi %parallel_loop3A_431, %parallel_loop3A_432 : i32
      %parallel_loop3A_434 = arith.constant 23 : i32
      %parallel_loop3A_435 = arith.muli %parallel_loop3A_433, %parallel_loop3A_434 : i32
      %parallel_loop3A_436 = arith.constant 12 : i32
      %parallel_loop3A_437 = arith.muli %parallel_loop3A_429, %parallel_loop3A_436 : i32
      %parallel_loop3A_438 = arith.subi %parallel_loop3A_405, %parallel_loop3A_437 : i32
      %parallel_loop3A_439 = arith.addi %parallel_loop3A_435, %parallel_loop3A_438 : i32
      %parallel_loop3A_440 = arith.constant 12 : i32
      %parallel_loop3A_441 = arith.addi %parallel_loop3A_439, %parallel_loop3A_440 : i32
      %parallel_loop3A_442 = arith.constant 1 : i32
      %parallel_loop3A_443 = arith.subi %parallel_loop3A_441, %parallel_loop3A_442 : i32
      %parallel_loop3A_444 = vector.broadcast %parallel_loop3A_443 : i32 to vector<16xi32>
      %parallel_loop3A_445 = arith.subi %parallel_loop3A_444, %add3A_37 : vector<16xi32>
      %parallel_loop3A_446 = tpu.vector_load_idx %arg4[%mul3A_3, %parallel_loop3A_445] : memref<1x529xf32, #tpu.memory_space<vmem>>[vector<16xi32>, vector<16xi32>], vector<16xf32>,
      %parallel_loop3A_447 = arith.index_cast %parallel_loop3A_405 : i32 to index
      %parallel_loop3A_448 = arith.constant 0 : index
      %parallel_loop3A_449 = tpu.vector_load %arg5[%parallel_loop3A_447, %parallel_loop3A_448] {strides = array<i32>} : memref<144x144xf32, #tpu.memory_space<vmem>>, vector<16xf32>,
      tpu.vector_store %arg5[%parallel_loop3A_447, %parallel_loop3A_448], %parallel_loop3A_446 {strides = array<i32>} : memref<144x144xf32, #tpu.memory_space<vmem>>, vector<16xf32>,
      %parallel_loop3A_450 = vector.broadcast %parallel_loop3A_443 : i32 to vector<16xi32>
      %parallel_loop3A_451 = arith.subi %parallel_loop3A_450, %add3A_79 : vector<16xi32>
      %parallel_loop3A_452 = tpu.vector_load_idx %arg4[%mul3A_3, %parallel_loop3A_451] : memref<1x529xf32, #tpu.memory_space<vmem>>[vector<16xi32>, vector<16xi32>], vector<16xf32>,
      %parallel_loop3A_453 = arith.index_cast %parallel_loop3A_405 : i32 to index
      %parallel_loop3A_454 = arith.constant 16 : index
      %parallel_loop3A_455 = tpu.vector_load %arg5[%parallel_loop3A_453, %parallel_loop3A_454] {strides = array<i32>} : memref<144x144xf32, #tpu.memory_space<vmem>>, vector<16xf32>,
      tpu.vector_store %arg5[%parallel_loop3A_453, %parallel_loop3A_454], %parallel_loop3A_452 {strides = array<i32>} : memref<144x144xf32, #tpu.memory_space<vmem>>, vector<16xf32>,
      %parallel_loop3A_456 = vector.broadcast %parallel_loop3A_443 : i32 to vector<16xi32>
      %parallel_loop3A_457 = arith.subi %parallel_loop3A_456, %add3A_121 : vector<16xi32>
      %parallel_loop3A_458 = tpu.vector_load_idx %arg4[%mul3A_3, %parallel_loop3A_457] : memref<1x529xf32, #tpu.memory_space<vmem>>[vector<16xi32>, vector<16xi32>], vector<16xf32>,
      %parallel_loop3A_459 = arith.index_cast %parallel_loop3A_405 : i32 to index
      %parallel_loop3A_460 = arith.constant 32 : index
      %parallel_loop3A_461 = tpu.vector_load %arg5[%parallel_loop3A_459, %parallel_loop3A_460] {strides = array<i32>} : memref<144x144xf32, #tpu.memory_space<vmem>>, vector<16xf32>,
      tpu.vector_store %arg5[%parallel_loop3A_459, %parallel_loop3A_460], %parallel_loop3A_458 {strides = array<i32>} : memref<144x144xf32, #tpu.memory_space<vmem>>, vector<16xf32>,
      %parallel_loop3A_462 = vector.broadcast %parallel_loop3A_443 : i32 to vector<16xi32>
      %parallel_loop3A_463 = arith.subi %parallel_loop3A_462, %add3A_163 : vector<16xi32>
      %parallel_loop3A_464 = tpu.vector_load_idx %arg4[%mul3A_3, %parallel_loop3A_463] : memref<1x529xf32, #tpu.memory_space<vmem>>[vector<16xi32>, vector<16xi32>], vector<16xf32>,
      %parallel_loop3A_465 = arith.index_cast %parallel_loop3A_405 : i32 to index
      %parallel_loop3A_466 = arith.constant 48 : index
      %parallel_loop3A_467 = tpu.vector_load %arg5[%parallel_loop3A_465, %parallel_loop3A_466] {strides = array<i32>} : memref<144x144xf32, #tpu.memory_space<vmem>>, vector<16xf32>,
      tpu.vector_store %arg5[%parallel_loop3A_465, %parallel_loop3A_466], %parallel_loop3A_464 {strides = array<i32>} : memref<144x144xf32, #tpu.memory_space<vmem>>, vector<16xf32>,
      %parallel_loop3A_468 = vector.broadcast %parallel_loop3A_443 : i32 to vector<16xi32>
      %parallel_loop3A_469 = arith.subi %parallel_loop3A_468, %add3A_205 : vector<16xi32>
      %parallel_loop3A_470 = tpu.vector_load_idx %arg4[%mul3A_3, %parallel_loop3A_469] : memref<1x529xf32, #tpu.memory_space<vmem>>[vector<16xi32>, vector<16xi32>], vector<16xf32>,
      %parallel_loop3A_471 = arith.index_cast %parallel_loop3A_405 : i32 to index
      %parallel_loop3A_472 = arith.constant 64 : index
      %parallel_loop3A_473 = tpu.vector_load %arg5[%parallel_loop3A_471, %parallel_loop3A_472] {strides = array<i32>} : memref<144x144xf32, #tpu.memory_space<vmem>>, vector<16xf32>,
      tpu.vector_store %arg5[%parallel_loop3A_471, %parallel_loop3A_472], %parallel_loop3A_470 {strides = array<i32>} : memref<144x144xf32, #tpu.memory_space<vmem>>, vector<16xf32>,
      %parallel_loop3A_474 = vector.broadcast %parallel_loop3A_443 : i32 to vector<16xi32>
      %parallel_loop3A_475 = arith.subi %parallel_loop3A_474, %add3A_247 : vector<16xi32>
      %parallel_loop3A_476 = tpu.vector_load_idx %arg4[%mul3A_3, %parallel_loop3A_475] : memref<1x529xf32, #tpu.memory_space<vmem>>[vector<16xi32>, vector<16xi32>], vector<16xf32>,
      %parallel_loop3A_477 = arith.index_cast %parallel_loop3A_405 : i32 to index
      %parallel_loop3A_478 = arith.constant 80 : index
      %parallel_loop3A_479 = tpu.vector_load %arg5[%parallel_loop3A_477, %parallel_loop3A_478] {strides = array<i32>} : memref<144x144xf32, #tpu.memory_space<vmem>>, vector<16xf32>,
      tpu.vector_store %arg5[%parallel_loop3A_477, %parallel_loop3A_478], %parallel_loop3A_476 {strides = array<i32>} : memref<144x144xf32, #tpu.memory_space<vmem>>, vector<16xf32>,
      %parallel_loop3A_480 = vector.broadcast %parallel_loop3A_443 : i32 to vector<16xi32>
      %parallel_loop3A_481 = arith.subi %parallel_loop3A_480, %add3A_289 : vector<16xi32>
      %parallel_loop3A_482 = tpu.vector_load_idx %arg4[%mul3A_3, %parallel_loop3A_481] : memref<1x529xf32, #tpu.memory_space<vmem>>[vector<16xi32>, vector<16xi32>], vector<16xf32>,
      %parallel_loop3A_483 = arith.index_cast %parallel_loop3A_405 : i32 to index
      %parallel_loop3A_484 = arith.constant 96 : index
      %parallel_loop3A_485 = tpu.vector_load %arg5[%parallel_loop3A_483, %parallel_loop3A_484] {strides = array<i32>} : memref<144x144xf32, #tpu.memory_space<vmem>>, vector<16xf32>,
      tpu.vector_store %arg5[%parallel_loop3A_483, %parallel_loop3A_484], %parallel_loop3A_482 {strides = array<i32>} : memref<144x144xf32, #tpu.memory_space<vmem>>, vector<16xf32>,
      %parallel_loop3A_486 = vector.broadcast %parallel_loop3A_443 : i32 to vector<16xi32>
      %parallel_loop3A_487 = arith.subi %parallel_loop3A_486, %add3A_331 : vector<16xi32>
      %parallel_loop3A_488 = tpu.vector_load_idx %arg4[%mul3A_3, %parallel_loop3A_487] : memref<1x529xf32, #tpu.memory_space<vmem>>[vector<16xi32>, vector<16xi32>], vector<16xf32>,
      %parallel_loop3A_489 = arith.index_cast %parallel_loop3A_405 : i32 to index
      %parallel_loop3A_490 = arith.constant 112 : index
      %parallel_loop3A_491 = tpu.vector_load %arg5[%parallel_loop3A_489, %parallel_loop3A_490] {strides = array<i32>} : memref<144x144xf32, #tpu.memory_space<vmem>>, vector<16xf32>,
      tpu.vector_store %arg5[%parallel_loop3A_489, %parallel_loop3A_490], %parallel_loop3A_488 {strides = array<i32>} : memref<144x144xf32, #tpu.memory_space<vmem>>, vector<16xf32>,
      %parallel_loop3A_492 = vector.broadcast %parallel_loop3A_443 : i32 to vector<16xi32>
      %parallel_loop3A_493 = arith.subi %parallel_loop3A_492, %add3A_373 : vector<16xi32>
      %parallel_loop3A_494 = tpu.vector_load_idx %arg4[%mul3A_3, %parallel_loop3A_493] : memref<1x529xf32, #tpu.memory_space<vmem>>[vector<16xi32>, vector<16xi32>], vector<16xf32>,
      %parallel_loop3A_495 = arith.index_cast %parallel_loop3A_405 : i32 to index
      %parallel_loop3A_496 = arith.constant 128 : index
      %parallel_loop3A_497 = tpu.vector_load %arg5[%parallel_loop3A_495, %parallel_loop3A_496] {strides = array<i32>} : memref<144x144xf32, #tpu.memory_space<vmem>>, vector<16xf32>,
      tpu.vector_store %arg5[%parallel_loop3A_495, %parallel_loop3A_496], %parallel_loop3A_494 {strides = array<i32>} : memref<144x144xf32, #tpu.memory_space<vmem>>, vector<16xf32>,
    } {sc.loop_unroll_factor = 4 : i64, sc.parallel_access}
    %dma_wait3A = arith.constant 0 : i32
    %dma_wait3A_392 = arith.constant 0 : i32
    %dma_wait3A_393 = tpu.memref_slice %arg5[%dma_wait3A, %dma_wait3A_392] : memref<144x144xf32, #tpu.memory_space<vmem>> -> memref<72x144xf32, #tpu.memory_space<vmem>>
    %dma_wait3A_394 = arith.constant 0 : i32
    %dma_wait3A_395 = arith.constant 0 : i32
    %dma_wait3A_396 = tpu.memref_slice %arg3[%add3A, %dma_wait3A_394, %dma_wait3A_395] : memref<32x144x144xf32, #tpu.memory_space<hbm>> -> memref<1x72x144xf32, #tpu.memory_space<hbm>>
    %dma_wait3A_397 = tpu.memref_squeeze %dma_wait3A_396 : memref<1x72x144xf32, #tpu.memory_space<hbm>> -> memref<72x144xf32, #tpu.memory_space<hbm>>
    %dma_wait3A_398 = arith.constant 0 : i32
    %dma_wait3A_399 = arith.constant 0 : i32
    %dma_wait3A_400 = tpu.memref_slice %arg3[%add3A, %dma_wait3A_398, %dma_wait3A_399] : memref<32x144x144xf32, #tpu.memory_space<hbm>> -> memref<1x72x144xf32, #tpu.memory_space<hbm>>
    %dma_wait3A_401 = tpu.memref_squeeze %dma_wait3A_400 : memref<1x72x144xf32, #tpu.memory_space<hbm>> -> memref<72x144xf32, #tpu.memory_space<hbm>>
    %dma_wait3A_402 = arith.constant 0 : i32
    %dma_wait3A_403 = arith.constant 0 : i32
    %dma_wait3A_404 = tpu.memref_slice %arg5[%dma_wait3A_402, %dma_wait3A_403] : memref<144x144xf32, #tpu.memory_space<vmem>> -> memref<72x144xf32, #tpu.memory_space<vmem>>
    tpu.wait_dma2 semaphore(%arg6 : memref<!tpu.dma_semaphore, #tpu.memory_space<semaphore_mem>>) src(%dma_wait3A_404 : memref<72x144xf32, #tpu.memory_space<vmem>>) dst(%dma_wait3A_401 : memref<72x144xf32, #tpu.memory_space<hbm>>)
    "tpu.region"() ({
      %run_scoped3A = tpu.sem_alloc : memref<!tpu.dma_semaphore, #tpu.memory_space<semaphore_mem>>
      %dma_start3A_405 = arith.constant 72 : i32
      %dma_start3A_406 = arith.constant 0 : i32
      %dma_start3A_407 = tpu.memref_slice %arg5[%dma_start3A_405, %dma_start3A_406] : memref<144x144xf32, #tpu.memory_space<vmem>> -> memref<72x144xf32, #tpu.memory_space<vmem>>
      %dma_start3A_408 = arith.constant 72 : i32
      %dma_start3A_409 = arith.constant 0 : i32
      %dma_start3A_410 = tpu.memref_slice %arg3[%add3A, %dma_start3A_408, %dma_start3A_409] : memref<32x144x144xf32, #tpu.memory_space<hbm>> -> memref<1x72x144xf32, #tpu.memory_space<hbm>>
      %dma_start3A_411 = tpu.memref_squeeze %dma_start3A_410 : memref<1x72x144xf32, #tpu.memory_space<hbm>> -> memref<72x144xf32, #tpu.memory_space<hbm>>
      %dma_start3A_412 = arith.constant 72 : i32
      %dma_start3A_413 = arith.constant 0 : i32
      %dma_start3A_414 = tpu.memref_slice %arg3[%add3A, %dma_start3A_412, %dma_start3A_413] : memref<32x144x144xf32, #tpu.memory_space<hbm>> -> memref<1x72x144xf32, #tpu.memory_space<hbm>>
      %dma_start3A_415 = tpu.memref_squeeze %dma_start3A_414 : memref<1x72x144xf32, #tpu.memory_space<hbm>> -> memref<72x144xf32, #tpu.memory_space<hbm>>
      %dma_start3A_416 = arith.constant 72 : i32
      %dma_start3A_417 = arith.constant 0 : i32
      %dma_start3A_418 = tpu.memref_slice %arg5[%dma_start3A_416, %dma_start3A_417] : memref<144x144xf32, #tpu.memory_space<vmem>> -> memref<72x144xf32, #tpu.memory_space<vmem>>
      tpu.enqueue_dma source(%dma_start3A_418 : memref<72x144xf32, #tpu.memory_space<vmem>>) target(%dma_start3A_415 : memref<72x144xf32, #tpu.memory_space<hbm>>) target_semaphore(%run_scoped3A : memref<!tpu.dma_semaphore, #tpu.memory_space<semaphore_mem>>)
      %dma_wait3A_419 = arith.constant 72 : i32
      %dma_wait3A_420 = arith.constant 0 : i32
      %dma_wait3A_421 = tpu.memref_slice %arg5[%dma_wait3A_419, %dma_wait3A_420] : memref<144x144xf32, #tpu.memory_space<vmem>> -> memref<72x144xf32, #tpu.memory_space<vmem>>
      %dma_wait3A_422 = arith.constant 72 : i32
      %dma_wait3A_423 = arith.constant 0 : i32
      %dma_wait3A_424 = tpu.memref_slice %arg3[%add3A, %dma_wait3A_422, %dma_wait3A_423] : memref<32x144x144xf32, #tpu.memory_space<hbm>> -> memref<1x72x144xf32, #tpu.memory_space<hbm>>
      %dma_wait3A_425 = tpu.memref_squeeze %dma_wait3A_424 : memref<1x72x144xf32, #tpu.memory_space<hbm>> -> memref<72x144xf32, #tpu.memory_space<hbm>>
      %dma_wait3A_426 = arith.constant 72 : i32
      %dma_wait3A_427 = arith.constant 0 : i32
      %dma_wait3A_428 = tpu.memref_slice %arg3[%add3A, %dma_wait3A_426, %dma_wait3A_427] : memref<32x144x144xf32, #tpu.memory_space<hbm>> -> memref<1x72x144xf32, #tpu.memory_space<hbm>>
      %dma_wait3A_429 = tpu.memref_squeeze %dma_wait3A_428 : memref<1x72x144xf32, #tpu.memory_space<hbm>> -> memref<72x144xf32, #tpu.memory_space<hbm>>
      %dma_wait3A_430 = arith.constant 72 : i32
      %dma_wait3A_431 = arith.constant 0 : i32
      %dma_wait3A_432 = tpu.memref_slice %arg5[%dma_wait3A_430, %dma_wait3A_431] : memref<144x144xf32, #tpu.memory_space<vmem>> -> memref<72x144xf32, #tpu.memory_space<vmem>>
      tpu.wait_dma2 semaphore(%run_scoped3A : memref<!tpu.dma_semaphore, #tpu.memory_space<semaphore_mem>>) src(%dma_wait3A_432 : memref<72x144xf32, #tpu.memory_space<vmem>>) dst(%dma_wait3A_429 : memref<72x144xf32, #tpu.memory_space<hbm>>)
      tpu.yield
    }) : () -> ()
    return
  }
}

</mosaic_0001>

<sc_bundles>
// kernel: kernel.3.cloned.1.call-start
scs
__scs_entry_jumppad:
0x0: {  	(pc) =	sbr.rel $0x88, $3  }
0x1: {  	(tag) =	ssettag $0x0;
	lr =	simm.s32 $0x1  }
0x2: {  	[smem:$0x3FA0] =	sst lr;
	_ =	strace $0xD0000000  }
0x3: {  	_ = 	snop  }
0x4: {  	_ = 	snop  }
0x5: {  	_ = 	snop  }
0x6: {  	_ = 	snop  }
0x7: {  	_ = 	snop  }
__scs_overlays_trampoline_lowered:
0x8: {  	[smem:$0x3FAF] =	sst s0  }
0x9: {  	[smem:$0x3FB0] =	sst s1  }
0xa: {  	[smem:$0x3FB1] =	sst s2  }
0xb: {  	[smem:$0x3FB2] =	sst s3  }
0xc: {  	[smem:$0x3FB3] =	sst s4  }
0xd: {  	[smem:$0x3FB4] =	sst s5  }
0xe: {  	[smem:$0x3FB5] =	sst s6  }
0xf: {  	[smem:$0x3FB6] =	sst s7  }
0x10: {  	[smem:$0x3FB7] =	sst s8  }
0x11: {  	[smem:$0x3FB8] =	sst s9;
	s0 =	simm.s32 @!p0 $0x0  }
0x12: {  	s1 =	sld [smem:$0x3F9E];
	s0 =	simm.s32 @p0 $0x1  }
0x13: {  	[smem:$0x3FB9] =	sst s0;
	s0 =	simm.s32 @!p1 $0x0  }
0x14: {  	s2 =	sld [smem:$0x3F9D];
	s0 =	simm.s32 @p1 $0x1  }
0x15: {  	[smem:$0x3FBA] =	sst s0;
	s0 =	simm.s32 @!p2 $0x0  }
0x16: {  	s3 =	sld [smem:$0x3FDB];
	s0 =	simm.s32 @p2 $0x1  }
0x17: {  	s4 =	simm.s32 $0x1BF5;
	[smem:$0x3FBC] =	sst s0  }
0x18: {  	s0 =	sld [smem:$0x3F9F];
	_ =	swait.ge [sflag:s4], $0x0  }
0x19: {  	s7 =	sld [smem:$0x3FA0]  }
0x1a: {  	s8 =	sadd.s32 $0xFFFFE003, lr  }
0x1b: {  	s9 =	sadd.s32 $0xFFFFFEF7, lr;
	s5 =	simm.s32 $0xFFFFFFFF;
	p2 =	slt.u32 s8, $0xFFFFF086  }
0x1c: {  	p1 =	slt.u32 s9, $0xF7A;
	s5 =	simm.s32 @!p2 $0x0  }
0x1d: {  	s5 =	simm.s32 @p1 $0x1;
	p0 =	seq.s32 s7, s2  }
0x1e: {  	s7 =	smul.u32 @!p0 $0xF7A, s2;
	p2 =	seq.s32 @!p0 s5, $0x0  }
0x1f: {  	s9 =	smul.u32 $0xF7A, s1;
	s8 =	simm.s32 @!p0 $0x1BF5;
	p2 =	por !p2, p0  }
0x20: {  	[sflag:s8] =	ssyncset.s32 @!p0 $0xFFFFF086;
	s6 =	sadd.s32 @!p0 s3, s7;
	s7 =	simm.s32 @!p0 $0x108  }
0x21: {  	s3 =	sadd.s32 s3, s9;
	s6 =	sadd.s32 @!p0 $0x88, s6;
	s7 =	simm.s32 @p2 $0x1082  }
0x22: {  	[simem:s7], [sflag:s8] =	dma.local @!p0 [hbm:s6], $0xF7A  }
0x23: {  	s9 =	sor.u32 $0xD0000000, s2;
	s6 =	simm.s32 $0x108;
	_ =	swait.ge @!p0 [sflag:s8], $0x0  }
0x24: {  	s3 =	sadd.s32 $0x88, s3;
	s6 =	simm.s32 @!p1 $0x1082;
	[sflag:s4] =	ssyncset.s32 $0xFFFFF086  }
0x25: {  	[simem:s6], [sflag:s4] =	dma.local [hbm:s3], $0xF7A  }
0x26: {  	[smem:$0x3FA0] =	sst s1;
	(tag) =	ssettag s2;
	_ =	strace s9  }
0x27: {  	s1 =	sld [smem:$0x3FB0]  }
0x28: {  	s2 =	sld [smem:$0x3FB1]  }
0x29: {  	s4 =	sld [smem:$0x3FB3]  }
0x2a: {  	p0 =	seq.s32 s5, $0x0;
	s5 =	sld [smem:$0x3FB4]  }
0x2b: {  	s6 =	sld [smem:$0x3FB5]  }
0x2c: {  	s7 =	sld [smem:$0x3FB6]  }
0x2d: {  	s3 =	simm.s32 $0x108;
	s8 =	sld [smem:$0x3FB7]  }
0x2e: {  	s3 =	simm.s32 @!p0 $0x1082;
	s9 =	sld [smem:$0x3FB8]  }
0x2f: {  	lr =	sadd.s32 s0, s3;
	s0 =	sld [smem:$0x3FAF]  }
0x30: {  	s3 =	sld [smem:$0x3FB2]  }
0x31: {  	[smem:$0x3FBB] =	sst s10  }
0x32: {  	s10 =	sld [smem:$0x3FB9];
	_ =	sdelay $0x3  }
0x33: {  	p0 =	seq.s32 s10, $0x1;
	s10 =	sld [smem:$0x3FBB];
	_ =	sdelay $0x3  }
0x34: {  	[smem:$0x3FBB] =	sst s10  }
0x35: {  	s10 =	sld [smem:$0x3FBA];
	_ =	sdelay $0x3  }
0x36: {  	p1 =	seq.s32 s10, $0x1;
	s10 =	sld [smem:$0x3FBB];
	_ =	sdelay $0x3  }
0x37: {  	[smem:$0x3FBB] =	sst s10  }
0x38: {  	s10 =	sld [smem:$0x3FBC]  }
0x39: {  	_ = 	snop;
	(pc) =	sbr.ind lr, $3  }
0x3a: {  	_ = 	snop  }
0x3b: {  	_ = 	snop  }
0x3c: {  	p2 =	seq.s32 s10, $0x1;
	s10 =	sld [smem:$0x3FBB]  }
0x3d: {  	_ =	shalt  }
0x3e: {  	_ =	shalt  }
0x3f: {  	_ =	shalt  }
0x40: {  	_ =	shalt  }
0x41: {  	_ =	shalt  }
0x42: {  	_ =	shalt  }
0x43: {  	_ =	shalt  }
0x44: {  	_ =	shalt  }
0x45: {  	_ =	shalt  }
0x46: {  	_ =	shalt  }
0x47: {  	_ =	shalt  }
0x48: {  	_ =	shalt  }
0x49: {  	_ =	shalt  }
0x4a: {  	_ =	shalt  }
0x4b: {  	_ =	shalt  }
0x4c: {  	_ =	shalt  }
0x4d: {  	_ =	shalt  }
0x4e: {  	_ =	shalt  }
0x4f: {  	_ =	shalt  }
0x50: {  	_ =	shalt  }
0x51: {  	_ =	shalt  }
0x52: {  	_ =	shalt  }
0x53: {  	_ =	shalt  }
0x54: {  	_ =	shalt  }
0x55: {  	_ =	shalt  }
0x56: {  	_ =	shalt  }
0x57: {  	_ =	shalt  }
0x58: {  	_ =	shalt  }
0x59: {  	_ =	shalt  }
0x5a: {  	_ =	shalt  }
0x5b: {  	_ =	shalt  }
0x5c: {  	_ =	shalt  }
0x5d: {  	_ =	shalt  }
0x5e: {  	_ =	shalt  }
0x5f: {  	_ =	shalt  }
0x60: {  	_ =	shalt  }
0x61: {  	_ =	shalt  }
0x62: {  	_ =	shalt  }
0x63: {  	_ =	shalt  }
0x64: {  	_ =	shalt  }
0x65: {  	_ =	shalt  }
0x66: {  	_ =	shalt  }
0x67: {  	_ =	shalt  }
0x68: {  	_ =	shalt  }
0x69: {  	_ =	shalt  }
0x6a: {  	_ =	shalt  }
0x6b: {  	_ =	shalt  }
0x6c: {  	_ =	shalt  }
0x6d: {  	_ =	shalt  }
0x6e: {  	_ =	shalt  }
0x6f: {  	_ =	shalt  }
0x70: {  	_ =	shalt  }
0x71: {  	_ =	shalt  }
0x72: {  	_ =	shalt  }
0x73: {  	_ =	shalt  }
0x74: {  	_ =	shalt  }
0x75: {  	_ =	shalt  }
0x76: {  	_ =	shalt  }
0x77: {  	_ =	shalt  }
0x78: {  	_ =	shalt  }
0x79: {  	_ =	shalt  }
0x7a: {  	_ =	shalt  }
0x7b: {  	_ =	shalt  }
0x7c: {  	_ =	shalt  }
0x7d: {  	_ =	shalt  }
0x7e: {  	_ =	shalt  }
0x7f: {  	_ =	shalt  }
0x80: {  	_ =	shalt  }
0x81: {  	_ =	shalt  }
0x82: {  	_ =	shalt  }
0x83: {  	_ =	shalt  }
0x84: {  	_ =	shalt  }
0x85: {  	_ =	shalt  }
0x86: {  	_ =	shalt  }
0x87: {  	_ =	shalt  }
.Lfunc_end0:
.L_simem_size_0:
called_computation_lowered:
.L_overlay_start_0:
0x88: {  	s2 =	sld [smem:$0x3FD9]  }
0x89: {  	s3 =	sld [smem:$0x3FFE];
	_ =	sdelay $0x1  }
0x8a: {  	s1 =	srdreg.scid  }
0x8b: {  	s0 =	sand.u32 $0x1, s1  }
0x8c: {  	s17 =	sshll.u32 s0, $0xA;
	s2 =	sadd.s32 s3, s2  }
0x8d: {  	s2 =	sadd.s32 s2, s17  }
0x8e: {  	[smem:$0x3FC7] =	sst s2  }
0x8f: {  	_ = 	snop  }
0x90: {  	s2 =	sld [smem:$0x3FD0];
	(tm) =	ssettm $0x1  }
0x91: {  	s18 =	sld [smem:$0x3FFB];
	_ =	sdelay $0x3  }
0x92: {  	_ =	strace s18  }
0x93: {  	s3 =	sld [smem:$0x3FFC];
	_ =	sdelay $0x3  }
0x94: {  	_ =	strace s3  }
0x95: {  	s3 =	sld [smem:$0x3FFD];
	_ =	sdelay $0x3  }
0x96: {  	_ =	strace s3  }
0x97: {  	_ =	strace $0x8FFFFFFF  }
0x98: {  	s19 =	sld [smem:$0x3FDB];
	_ =	sdelay $0x1  }
0x99: {  	s4 =	simm.s32 $_scs_section_size  }
0x9a: {  	s5 =	simm.s32 $_size__tile_overlayer_lowered;
	s6 =	simm.s32 $_tile_overlayer_lowered  }
0x9b: {  	s22 =	simm.s32 $0x1BFF;
	s21 =	sshll.u32 s6, $0x1;
	s3 =	sadd.s32 s4, s19  }
0x9c: {  	s7 =	simm.s32 $0x0;
	s20 =	sshll.u32 s5, $0x1;
	s5 =	sadd.s32 s21, s3  }
0x9d: {  	[timem:s7], [sflag:s22] =	dma.local [hbm:s5], s20  }
0x9e: {  	_ =	swait.ge [sflag:s22], s20  }
0x9f: {  	s4 =	ssub.s32 $0x0, s20;
	[sflag:s22] =	ssyncset.done $0x0  }
0xa0: {  	[sflag:s22] =	ssyncadd.s32 s4;
	_ =	sdelay $0x1  }
0xa1: {  	s23 =	simm.s32 $0x1B8B  }
0xa2: {  	_ =	swait.ge [sflag:s23], $0x1  }
0xa3: {  	[sflag:s23] =	ssyncset.done $0x0  }
0xa4: {  	s25 =	simm.s32 $0x1B8E;
	s24 =	sld [smem:$0x3FFE];
	[sflag:s23] =	ssyncadd.s32 $0xFFFFFFFF  }
0xa5: {  	s26 =	simm.s32 $execute0_lowered;
	[smem:$0x3FD2] =	sst s25  }
0xa6: {  	s5 =	sshll.u32 s26, $0x1;
	_ =	strace $0x80000046;
	[dreg:$0x1] =	wrdreg $0xFFFFFFFF  }
0xa7: {  	s28 =	simm.s32 $_size_execute0_lowered;
	s3 =	sadd.s32 s3, s5;
	[dreg:$0x0] =	wrdreg $0x0  }
0xa8: {  	s5 =	sshll.u32 s28, $0x1;
	[dreg:$0x2] =	wrdreg s3  }
0xa9: {  	[dreg:$0x3] =	wrdreg s5  }
0xaa: {  	[dreg:$0x4] =	wrdreg $0xC0  }
0xab: {  	_ =	task [dreg:s7], $0x5FFFF  }
0xac: {  	[dreg:$0x1] =	wrdreg $0xFFFFFFFF  }
0xad: {  	[dreg:$0x0] =	wrdreg $0x60  }
0xae: {  	[dreg:$0x2] =	wrdreg s24  }
0xaf: {  	[dreg:$0x3] =	wrdreg s2  }
0xb0: {  	[dreg:$0x4] =	wrdreg $0x9  }
0xb1: {  	_ =	task.clear_ibuf [dreg:s7], $0x5FFFF;
	_ =	strace $0x90000046  }
0xb2: {  	s29 =	simm.s32 $0x9;
	_ =	strace $0x80000048  }
0xb3: {  	_ =	swait.ge [sflag:s29], $0x1  }
0xb4: {  	[sflag:s29] =	ssyncadd.s32 $0xFFFFFFFF  }
0xb5: {  	_ =	strace $0x90000048  }
0xb6: {  	_ =	sfence  }
0xb7: {  	s30 =	sld [smem:$0x0];
	_ =	sdelay $0x2  }
0xb8: {  	s31 =	sshll.u32 s1, $0xD;
	s1 =	sshrl.u32 s1, $0x2  }
0xb9: {  	s3 =	sand.u32 $0x4000, s31;
	s1 =	sadd.s32 s1, s30  }
0xba: {  	s0 =	sor.u32 s3, s0;
	s1 =	sshll.u32 s1, $0x11  }
0xbb: {  	s0 =	sor.u32 s1, s0  }
0xbc: {  	s0 =	sadd.s32 $0x8F2B, s0  }
0xbd: {  	[sflag:s0] =	ssyncadd.remote.s32 $0x1  }
0xbe: {  	_ =	sfence.sel $0xFFFF  }
0xbf: {  	[dreg:$0x0] =	wrdreg $0xFFFFFFFF;
	(pc) =	sbr.abs _section_cstart, $3  }
0xc0: {  	[dreg:$0x1] =	wrdreg $0xFFFFFFFF  }
0xc1: {  	_ =	task.clear_ibuf [dreg:s7], $0x2FFFF;
	_ =	strace $0x9FFFFFFF  }
0xc2: {  	(tm) =	ssettm $0x7FFFFFFF  }
0xc3: {  	_ =	shalt  }
tec
execute0_lowered:
.L_overlay_start_1:
0x0: {  	(tag) =	ssettag $0x1  }
0x1: {  	v0 =	vimm.s32 $0xF5F6F7F8  }
0x2: {  	v1 =	vimm.s32 $0xE6E7E8E9;
	v2 =	vimm.s32 $0x9ABCDEF0;
	vm0 =	vcmask $0x1F10  }
0x3: {  	v3 =	vimm.s32 $0xCFD0D1D2;
	v4 =	vimm.s32 $0xCBCCCDCE;
	v5 =	vimm.s32 $0xB0B1B2B3  }
0x4: {  	v6 =	vimm.s32 $0xC7C8C9CA;
	v7 =	vimm.s32 $0xB8B9BABB;
	vm10 =	vcmask $0x300  }
0x5: {  	vm11 =	vcmask $0x704;
	vm12 =	vcmask $0xB08;
	vm13 =	vcmask $0xF0C  }
0x6: {  	vm1 =	vcmask $0xF00;
	vm14 =	vcmask $0x1310;
	vm9 =	vcmask $0x1714  }
0x7: {  	vm8 =	vcmask $0x1B18;
	vm7 =	vcmask $0x1F1C;
	vm6 =	vcmask $0x2320  }
0x8: {  	v8 =	vimm.s32 $0xFFFFFEF8;
	v0 =	vunpack.c.0.s8.s32 v0;
	v2 =	vunpack.c.l.s4.s8 v2  }
0x9: {  	v1 =	vunpack.c.0.s8.s32 v1;
	v3 =	vunpack.c.0.s8.s32 v3;
	v4 =	vunpack.c.0.s8.s32 v4  }
0xa: {  	vm5 =	vcmask $0x2724;
	v8 =	vsel vm10, $0xFFFFFF12, v8;
	v2 =	vunpack.c.0.s8.s32 v2  }
0xb: {  	v8 =	vsel vm11, $0xFFFFFF11, v8;
	v0 =	vsel vm0, v1, v0;
	v1 =	vsel vm0, v4, v3  }
0xc: {  	v3 =	vimm.s32 $0xDEDFE0E1;
	v0 =	vcombine.low v2, v0;
	v2 =	vimm.s32 $0xE2E3E4E5  }
0xd: {  	v4 =	vimm.s32 $0xB4B5B6B7;
	v3 =	vunpack.c.0.s8.s32 v3;
	v2 =	vunpack.c.0.s8.s32 v2  }
0xe: {  	v5 =	vunpack.c.0.s8.s32 v5;
	v8 =	vsel vm12, $0xFFFFFF10, v8;
	v4 =	vunpack.c.0.s8.s32 v4  }
0xf: {  	v2 =	vsel vm0, v3, v2;
	v3 =	vunpack.c.0.s8.s32 v6;
	v6 =	vunpack.c.0.s8.s32 v7  }
0x10: {  	v8 =	vsel vm13, $0xFFFFFF0F, v8;
	v7 =	vimm.s32 $0x9D9E9FA0;
	v1 =	vcombine.low v2, v1  }
0x11: {  	v2 =	vsel vm0, v5, v4;
	v3 =	vsel vm0, v6, v3;
	v6 =	vimm.s32 $0xA1A2A3A4  }
0x12: {  	v2 =	vcombine.low v3, v2;
	v3 =	vunpack.c.0.s8.s32 v6;
	v6 =	vunpack.c.0.s8.s32 v7  }
0x13: {  	vm4 =	vcmask $0x2B28;
	vm3 =	vcmask $0x2F2C;
	v8 =	vsel vm14, $0xFFFFFF03, v8  }
0x14: {  	v8 =	vsel vm9, $0xFFFFFF02, v8;
	v3 =	vsel vm0, v6, v3;
	v6 =	vimm.s32 $0x86878889  }
0x15: {  	v8 =	vsel vm8, $0xFFFFFF01, v8;
	v7 =	vimm.s32 $0x82838485;
	v6 =	vunpack.c.0.s8.s32 v6  }
0x16: {  	vm2 =	vcmask $0x3330;
	v8 =	vsel vm7, $0xFFFFFF00, v8;
	v7 =	vunpack.c.0.s8.s32 v7  }
0x17: {  	v4 =	vimm.s32 $0x999A9B9C;
	v5 =	vimm.s32 $0x8A8B8C8D;
	v6 =	vnsel vm1, $0xFFFFFF6F, v6  }
0x18: {  	v8 =	vsel vm6, $0xFFFFFEFF, v8;
	v4 =	vunpack.c.0.s8.s32 v4;
	v6 =	vsel vm0, v7, v6  }
0x19: {  	v5 =	vunpack.c.0.s8.s32 v5;
	v8 =	vsel vm5, $0xFFFFFEFE, v8;
	v6 =	vsel vm6, $0xFFFFFF76, v6  }
0x1a: {  	vm15 =	vcmask $0x3B38;
	v8 =	vsel vm4, $0xFFFFFEFD, v8;
	v6 =	vsel vm5, $0xFFFFFF75, v6  }
0x1b: {  	v4 =	vsel vm0, v5, v4;
	v5 =	vimm.s32 $0xFFFFFF54;
	v6 =	vsel vm4, $0xFFFFFF74, v6  }
0x1c: {  	v8 =	vsel vm3, $0xFFFFFEFC, v8;
	v5 =	vsel vm10, $0xFFFFFF6E, v5;
	v6 =	vsel vm3, $0xFFFFFF73, v6  }
0x1d: {  	v8 =	vsel vm2, $0xFFFFFEFB, v8;
	vm0 =	vcmask $0x3734;
	v6 =	vsel vm2, $0xFFFFFF72, v6  }
0x1e: {  	v5 =	vsel vm11, $0xFFFFFF6D, v5;
	v3 =	vcombine.low v3, v4;
	v6 =	vsel vm0, $0xFFFFFF71, v6  }
0x1f: {  	v7 =	vimm.s32 $0xFFFFFF13;
	v4 =	vsel vm15, $0xFFFFFF70, v6;
	v6 =	vimm.s32 $0xFFFFFF2E  }
0x20: {  	v5 =	vsel vm12, $0xFFFFFF6C, v5;
	v7 =	vsel vm10, $0xFFFFFF2D, v7;
	v6 =	vsel vm10, $0xFFFFFF48, v6  }
0x21: {  	v5 =	vsel vm13, $0xFFFFFF6B, v5;
	v7 =	vsel vm11, $0xFFFFFF2C, v7;
	v6 =	vsel vm11, $0xFFFFFF47, v6  }
0x22: {  	v5 =	vsel vm14, $0xFFFFFF5F, v5;
	v7 =	vsel vm12, $0xFFFFFF2B, v7;
	v6 =	vsel vm12, $0xFFFFFF46, v6  }
0x23: {  	v5 =	vsel vm9, $0xFFFFFF5E, v5;
	v7 =	vsel vm13, $0xFFFFFF2A, v7;
	v6 =	vsel vm13, $0xFFFFFF45, v6  }
0x24: {  	s0 =	srdreg.scid;
	s2 =	stileid.u32;
	v8 =	vsel vm0, $0xFFFFFEFA, v8;
	v7 =	vsel vm14, $0xFFFFFF29, v7;
	v6 =	vsel vm14, $0xFFFFFF44, v6  }
0x25: {  	s0 =	sand.u32 $0x1, s0;
	s2 =	sshll.u32 s2, $0x1;
	v5 =	vsel vm8, $0xFFFFFF5D, v5;
	v7 =	vsel vm9, $0xFFFFFF28, v7;
	v6 =	vsel vm9, $0xFFFFFF43, v6  }
0x26: {  	s1 =	rddreg [dreg:$0x0];
	s4 =	sor.u32 s0, s2;
	v8 =	vsel vm15, $0xFFFFFEF9, v8;
	v7 =	vsel vm8, $0xFFFFFF27, v7;
	v6 =	vsel vm8, $0xFFFFFF42, v6  }
0x27: {  	s3 =	rddreg [dreg:$0x1];
	s0 =	ssub.s32 $0x2, s0;
	s5 =	smul.u32 $0x9000, s4;
	v5 =	vsel vm7, $0xFFFFFF5C, v5;
	v7 =	vsel vm7, $0xFFFFFF26, v7;
	v6 =	vsel vm7, $0xFFFFFF41, v6  }
0x28: {  	s2 =	simm.s32 $0x0;
	s4 =	smul.u32 $0x50, s4;
	s30 =	sshrl.u32 s0, $0x1;
	v5 =	vsel vm6, $0xFFFFFF5B, v5;
	v7 =	vsel vm6, $0xFFFFFF1A, v7;
	v6 =	vsel vm6, $0xFFFFFF40, v6  }
0x29: {  	[smem:$0x7FF] =	sst s2;
	s0 =	ssub.s32 s0, s30;
	v5 =	vsel vm5, $0xFFFFFF5A, v5;
	v7 =	vsel vm5, $0xFFFFFF19, v7;
	v6 =	vsel vm5, $0xFFFFFF3F, v6  }
0x2a: {  	_ =	strace $0x80000047;
	s1 =	sadd.s32 s4, s1;
	s0 =	smax.u32 s0, $0x1;
	v5 =	vsel vm4, $0xFFFFFF59, v5;
	v7 =	vsel vm4, $0xFFFFFF18, v7;
	v6 =	vsel vm4, $0xFFFFFF3E, v6  }
0x2b: {  	s5 =	sshrl.u32 s5, $0x3;
	s1 =	sadd.s32 $0x400, s1;
	[dreg:$0x18] =	wrdreg s0;
	v5 =	vsel vm3, $0xFFFFFF58, v5;
	v7 =	vsel vm3, $0xFFFFFF17, v7;
	v6 =	vsel vm3, $0xFFFFFF3D, v6  }
0x2c: {  	s3 =	sadd.s32 s3, s5;
	[dreg:$0x16] =	wrdreg s1;
	v5 =	vsel vm2, $0xFFFFFF57, v5;
	v7 =	vsel vm2, $0xFFFFFF16, v7;
	v6 =	vsel vm2, $0xFFFFFF31, v6  }
0x2d: {  	[dreg:$0x15] =	wrdreg s3;
	s31 =	sadd.s32 $0x900, s3;
	v5 =	vsel vm0, $0xFFFFFF56, v5;
	v7 =	vsel vm0, $0xFFFFFF15, v7;
	v6 =	vsel vm0, $0xFFFFFF30, v6  }
0x2e: {  	s12 =	simm.s32 $0x0;
	s3 =	simm.s32 $0x2;
	[dreg:$0x17] =	wrdreg s31;
	v5 =	vsel vm15, $0xFFFFFF55, v5;
	v7 =	vsel vm15, $0xFFFFFF14, v7;
	v6 =	vsel vm15, $0xFFFFFF2F, v6  }
.LBB2_1:
0x2f: {  	s0 =	smulhi.u32 $0xAAAAAAAB, s2;
	_ =	sdelay $0x1  }
0x30: {  	s0 =	sshrl.u32 s0, $0x3  }
0x31: {  	s0 =	smul.u32 $0xB, s0;
	_ =	sdelay $0x1  }
0x32: {  	s5 =	sadd.s32 $0x0, s0  }
0x33: {  	[dreg:$0x19] =	wrdreg s12;
	s1 =	sadd.s32 $0x10B, s5  }
0x34: {  	s18 =	rddreg [dreg:$0x16];
	v9 =	vadd.s32 s1, v0  }
0x35: {  	[tilespmem:s2], [sflag:$0x2] =	stream.linear.gather [hbm4b:s18+s2], $0x280, $0x38;
	[tilespmem:$0x9280] =	vst v63  }
0x36: {  	_ =	swait.ge [sflag:s3], $0x280  }
0x37: {  	[sflag:s3] =	ssyncset.done $0x0  }
0x38: {  	[sflag:s3] =	ssyncadd.s32 $0xFFFFFD80;
	s0 =	sadd.s32 $0x109, s5  }
0x39: {  	v10 =	vadd.s32 s0, v0;
	v9 =	vld.idx.msk [tilespmem:v9+s2+$0x0], $0xffff  }
0x3a: {  	v11 =	vadd.s32 s1, v1  }
0x3b: {  	s19 =	simm.s32 $0x180;
	s4 =	sand.u32 $0x7800, s2  }
0x3c: {  	s4 =	sor.u32 $0x280, s4;
	s3 =	sand.u32 $0x380, s19;
	s21 =	sadd.s32 $0x10A, s5  }
0x3d: {  	s3 =	sadd.s32 s3, s4;
	v12 =	vadd.s32 s21, v0  }
0x3e: {  	v10 =	vld.idx.msk [tilespmem:v10+s2+$0x0], $0xffff;
	[tilespmem:s3+$0x0] =	vst v9  }
0x3f: {  	v13 =	vadd.s32 s0, v1;
	v9 =	vld.idx.msk [tilespmem:v11+s2+$0x0], $0xffff  }
0x40: {  	s6 =	simm.s32 $0x80;
	v11 =	vadd.s32 s1, v2  }
0x41: {  	s6 =	sand.u32 $0x280, s6  }
0x42: {  	s23 =	sadd.s32 s6, s4;
	s6 =	simm.s32 $0x4;
	v12 =	vld.idx.msk [tilespmem:v12+s2+$0x0], $0xffff  }
0x43: {  	s7 =	smulhi.u32 $0xAAAAAAAB, s6;
	v14 =	vadd.s32 s21, v1;
	[tilespmem:s23+$0x0] =	vst v10  }
0x44: {  	s8 =	simm.s32 $0x100;
	v10 =	vld.idx.msk [tilespmem:v13+s2+$0x0], $0xffff;
	[tilespmem:s3+$0x10] =	vst v9  }
0x45: {  	s8 =	sand.u32 $0x300, s8;
	s7 =	sshrl.u32 s7, $0x3;
	v13 =	vadd.s32 s0, v2;
	v9 =	vld.idx.msk [tilespmem:v11+s2+$0x0], $0xffff  }
0x46: {  	s22 =	sadd.s32 s8, s4;
	s7 =	smul.u32 $0xB, s7;
	v11 =	vadd.s32 s1, v3  }
0x47: {  	[tilespmem:s22+$0x0] =	vst v12  }
0x48: {  	s7 =	sadd.s32 $0x4, s7;
	v12 =	vld.idx.msk [tilespmem:v14+s2+$0x0], $0xffff  }
0x49: {  	s19 =	sadd.s32 $0x109, s7;
	v14 =	vadd.s32 s21, v2;
	[tilespmem:s23+$0x10] =	vst v10  }
0x4a: {  	v10 =	vld.idx.msk [tilespmem:v13+s2+$0x0], $0xffff;
	v13 =	vadd.s32 s19, v0;
	[tilespmem:s3+$0x20] =	vst v9  }
0x4b: {  	s26 =	sadd.s32 $0x108, s5;
	v15 =	vadd.s32 s0, v3;
	v11 =	vld.idx.msk [tilespmem:v11+s2+$0x0], $0xffff  }
0x4c: {  	v9 =	vadd.s32 s26, v0  }
0x4d: {  	s11 =	sadd.s32 $0x10A, s7;
	[tilespmem:s22+$0x10] =	vst v12;
	v12 =	vadd.s32 s1, v4  }
0x4e: {  	s13 =	sadd.s32 $0x10B, s7;
	v16 =	vadd.s32 s11, v0;
	v14 =	vld.idx.msk [tilespmem:v14+s2+$0x0], $0xffff  }
0x4f: {  	[tilespmem:s23+$0x20] =	vst v10;
	v10 =	vadd.s32 s13, v0;
	v13 =	vld.idx.msk [tilespmem:v13+s2+$0x0], $0xffff  }
0x50: {  	s20 =	simm.s32 $0x400;
	s24 =	simm.s32 $0x400;
	v17 =	vadd.s32 s19, v1;
	v15 =	vld.idx.msk [tilespmem:v15+s2+$0x0], $0xffff;
	[tilespmem:s3+$0x30] =	vst v11  }
0x51: {  	s28 =	simm.s32 $0x280;
	s25 =	sand.u32 $0x7800, s20;
	v18 =	vadd.s32 s0, v4;
	v9 =	vld.idx.msk [tilespmem:v9+s2+$0x0], $0xffff;
	[dreg:$0xc] =	wrdreg s24  }
0x52: {  	s8 =	sand.u32 $0x280, s28;
	s5 =	sor.u32 $0x280, s25;
	v12 =	vld.idx.msk [tilespmem:v12+s2+$0x0], $0xffff  }
0x53: {  	s9 =	simm.s32 $0x0;
	s14 =	sadd.s32 s8, s5;
	v19 =	vadd.s32 s1, v5;
	v16 =	vld.idx.msk [tilespmem:v16+s2+$0x0], $0xffff  }
0x54: {  	s30 =	sand.u32 $0x200, s9;
	v20 =	vadd.s32 s11, v1;
	v10 =	vld.idx.msk [tilespmem:v10+s2+$0x0], $0xffff;
	[tilespmem:s14+$0x0] =	vst v13  }
0x55: {  	s28 =	sadd.s32 s30, s4;
	s8 =	simm.s32 $0x300;
	[tilespmem:s23+$0x30] =	vst v15;
	v13 =	vadd.s32 s13, v1;
	v15 =	vld.idx.msk [tilespmem:v17+s2+$0x0], $0xffff  }
0x56: {  	s9 =	simm.s32 $0x380;
	s4 =	sand.u32 $0x300, s8;
	v17 =	vadd.s32 s19, v2;
	[tilespmem:s28+$0x0] =	vst v9;
	v9 =	vld.idx.msk [tilespmem:v18+s2+$0x0], $0xffff  }
0x57: {  	s12 =	sand.u32 $0x380, s9;
	s10 =	sadd.s32 s4, s5;
	v11 =	vadd.s32 s26, v1;
	[tilespmem:s3+$0x40] =	vst v12  }
0x58: {  	s9 =	sadd.s32 s12, s5;
	s24 =	sadd.s32 $0x108, s7;
	v18 =	vadd.s32 s0, v5;
	[tilespmem:s10+$0x0] =	vst v16;
	v16 =	vld.idx.msk [tilespmem:v19+s2+$0x0], $0xffff  }
0x59: {  	v12 =	vadd.s32 s24, v0;
	[tilespmem:s9+$0x0] =	vst v10;
	v19 =	vld.idx.msk [tilespmem:v20+s2+$0x0], $0xffff  }
0x5a: {  	v10 =	vadd.s32 s1, v6;
	v13 =	vld.idx.msk [tilespmem:v13+s2+$0x0], $0xffff;
	[tilespmem:s14+$0x10] =	vst v15  }
0x5b: {  	v20 =	vadd.s32 s11, v2;
	[tilespmem:s23+$0x40] =	vst v9;
	v9 =	vld.idx.msk [tilespmem:v17+s2+$0x0], $0xffff  }
0x5c: {  	v11 =	vld.idx.msk [tilespmem:v11+s2+$0x0], $0xffff;
	v15 =	vadd.s32 s13, v2  }
0x5d: {  	v17 =	vld.idx.msk [tilespmem:v18+s2+$0x0], $0xffff;
	v18 =	vadd.s32 s19, v3;
	[tilespmem:s3+$0x50] =	vst v16  }
0x5e: {  	v21 =	vadd.s32 s0, v6;
	s4 =	simm.s32 $0x8;
	v12 =	vld.idx.msk [tilespmem:v12+s2+$0x0], $0xffff;
	[tilespmem:s10+$0x10] =	vst v19  }
0x5f: {  	s15 =	smulhi.u32 $0xAAAAAAAB, s4;
	v16 =	vadd.s32 s24, v1;
	[tilespmem:s9+$0x10] =	vst v13;
	v10 =	vld.idx.msk [tilespmem:v10+s2+$0x0], $0xffff  }
0x60: {  	s16 =	simm.s32 $0x200;
	v19 =	vld.idx.msk [tilespmem:v20+s2+$0x0], $0xffff;
	[tilespmem:s14+$0x20] =	vst v9;
	v9 =	vadd.s32 s26, v2  }
0x61: {  	s8 =	sand.u32 $0x200, s16;
	s7 =	sshrl.u32 s15, $0x3;
	[tilespmem:s22+$0x20] =	vst v14;
	v13 =	vadd.s32 s1, v7;
	v15 =	vld.idx.msk [tilespmem:v15+s2+$0x0], $0xffff  }
0x62: {  	s5 =	sadd.s32 s8, s5;
	s7 =	smul.u32 $0xB, s7;
	v20 =	vadd.s32 s13, v3;
	[tilespmem:s23+$0x50] =	vst v17;
	v17 =	vld.idx.msk [tilespmem:v18+s2+$0x0], $0xffff  }
0x63: {  	v18 =	vld.idx.msk [tilespmem:v21+s2+$0x0], $0xffff;
	[tilespmem:s5+$0x0] =	vst v12;
	v12 =	vadd.s32 s19, v4  }
0x64: {  	s7 =	sadd.s32 $0x8, s7;
	[tilespmem:s28+$0x10] =	vst v11;
	v21 =	vadd.s32 s21, v3;
	v16 =	vld.idx.msk [tilespmem:v16+s2+$0x0], $0xffff  }
0x65: {  	s20 =	sadd.s32 $0x109, s7;
	[tilespmem:s3+$0x60] =	vst v10;
	v9 =	vld.idx.msk [tilespmem:v9+s2+$0x0], $0xffff  }
0x66: {  	s16 =	sadd.s32 $0x10A, s7;
	v14 =	vadd.s32 s20, v0;
	[tilespmem:s9+$0x20] =	vst v15;
	v11 =	vld.idx.msk [tilespmem:v13+s2+$0x0], $0xffff  }
0x67: {  	v10 =	vadd.s32 s16, v0;
	v15 =	vld.idx.msk [tilespmem:v20+s2+$0x0], $0xffff;
	[tilespmem:s14+$0x30] =	vst v17  }
0x68: {  	v13 =	vadd.s32 s1, v8;
	v12 =	vld.idx.msk [tilespmem:v12+s2+$0x0], $0xffff;
	[dreg:$0x3] =	wrdreg s10  }
0x69: {  	s25 =	sadd.s32 $0x10B, s7;
	v17 =	vadd.s32 s26, v3;
	[tilespmem:s10+$0x20] =	vst v19;
	v20 =	vld.idx.msk [tilespmem:v21+s2+$0x0], $0xffff  }
0x6a: {  	v19 =	vadd.s32 s25, v0;
	[tilespmem:s23+$0x60] =	vst v18  }
0x6b: {  	v14 =	vld.idx.msk [tilespmem:v14+s2+$0x0], $0xffff;
	[tilespmem:s28+$0x20] =	vst v9  }
0x6c: {  	v21 =	vadd.s32 s21, v4;
	v10 =	vld.idx.msk [tilespmem:v10+s2+$0x0], $0xffff;
	[tilespmem:s3+$0x70] =	vst v11  }
0x6d: {  	s17 =	sand.u32 $0x7, s2;
	v11 =	vadd.s32 s13, v4;
	[tilespmem:s9+$0x30] =	vst v15;
	v9 =	vld.idx.msk [tilespmem:v13+s2+$0x0], $0xffff  }
0x6e: {  	s1 =	sshll.u32 s17, $0x7;
	v13 =	vld.idx.msk [tilespmem:v17+s2+$0x0], $0xffff;
	v17 =	vadd.s32 s0, v7;
	[tilespmem:s22+$0x30] =	vst v20  }
0x6f: {  	s8 =	sadd.s32 $0x0, s1;
	v15 =	vadd.s32 s26, v4;
	v19 =	vld.idx.msk [tilespmem:v19+s2+$0x0], $0xffff;
	[dreg:$0x4] =	wrdreg s5  }
0x70: {  	s17 =	simm.s32 $0x800;
	s1 =	sadd.s32 $0x180, s8;
	v18 =	vadd.s32 s16, v1;
	[tilespmem:s5+$0x10] =	vst v16  }
0x71: {  	s30 =	simm.s32 $0x500;
	s18 =	sand.u32 $0x7800, s17;
	s1 =	sor.u32 $0x400, s1;
	v16 =	vadd.s32 s20, v1;
	v20 =	vld.idx.msk [tilespmem:v21+s2+$0x0], $0xffff;
	[tilespmem:s14+$0x40] =	vst v12  }
0x72: {  	s12 =	sand.u32 $0x300, s30;
	s15 =	sor.u32 $0x280, s18;
	s10 =	simm.s32 $0x480;
	v11 =	vld.idx.msk [tilespmem:v11+s2+$0x0], $0xffff;
	[tilespmem:s1+$0x280] =	vst v9;
	v9 =	vadd.s32 s25, v1  }
0x73: {  	s18 =	sand.u32 $0x280, s10;
	s3 =	simm.s32 $0x580;
	s1 =	sadd.s32 s12, s15;
	[tilespmem:s28+$0x30] =	vst v13;
	v13 =	vld.idx.msk [tilespmem:v17+s2+$0x0], $0xffff;
	v17 =	vadd.s32 s21, v5  }
0x74: {  	s30 =	sand.u32 $0x380, s3;
	s5 =	sadd.s32 s18, s15;
	[tilespmem:s1+$0x0] =	vst v10;
	v10 =	vadd.s32 s13, v5;
	v15 =	vld.idx.msk [tilespmem:v15+s2+$0x0], $0xffff  }
0x75: {  	s18 =	sadd.s32 s30, s15;
	[tilespmem:s5+$0x0] =	vst v14;
	v14 =	vld.idx.msk [tilespmem:v18+s2+$0x0], $0xffff;
	v18 =	vadd.s32 s19, v5  }
0x76: {  	[tilespmem:s18+$0x0] =	vst v19;
	v16 =	vld.idx.msk [tilespmem:v16+s2+$0x0], $0xffff  }
0x77: {  	v19 =	vadd.s32 s26, v5;
	[tilespmem:s22+$0x40] =	vst v20;
	v9 =	vld.idx.msk [tilespmem:v9+s2+$0x0], $0xffff  }
0x78: {  	v21 =	vadd.s32 s16, v2;
	[tilespmem:s9+$0x40] =	vst v11;
	v11 =	vld.idx.msk [tilespmem:v17+s2+$0x0], $0xffff  }
0x79: {  	s8 =	sadd.s32 $0x80, s8;
	v20 =	vadd.s32 s20, v2;
	v10 =	vld.idx.msk [tilespmem:v10+s2+$0x0], $0xffff;
	[tilespmem:s28+$0x40] =	vst v15  }
0x7a: {  	s7 =	sadd.s32 $0x108, s7;
	s12 =	sand.u32 $0x3, s2;
	v24 =	vld.idx.msk [tilespmem:v18+s2+$0x0], $0xffff;
	[dreg:$0x8] =	wrdreg s8  }
0x7b: {  	s6 =	sand.u32 $0x7, s6;
	s30 =	sshll.u32 s12, $0x8;
	v17 =	vadd.s32 s7, v0;
	[tilespmem:s1+$0x10] =	vst v14  }
0x7c: {  	s6 =	sshll.u32 s6, $0x7;
	v22 =	vadd.s32 s25, v2;
	s30 =	sadd.s32 $0x0, s30;
	v25 =	vld.idx.msk [tilespmem:v19+s2+$0x0], $0xffff;
	[tilespmem:s5+$0x10] =	vst v16  }
0x7d: {  	p0 =	por $0x0, $0x0;
	s12 =	sadd.s32 $0x400, s6;
	s6 =	sadd.s32 $0x100, s30;
	v14 =	vadd.s32 s21, v6;
	v26 =	vld.idx.msk [tilespmem:v21+s2+$0x0], $0xffff;
	[tilespmem:s18+$0x10] =	vst v9  }
0x7e: {  	s8 =	smov.u32 s11;
	s11 =	simm.s32 $0x1;
	v21 =	vadd.s32 s13, v6;
	v16 =	vld.idx.msk [tilespmem:v20+s2+$0x0], $0xffff;
	[dreg:$0xb] =	wrdreg s6  }
0x7f: {  	s11 =	simm.s32 @!p0 $0x0;
	[tilespmem:s22+$0x50] =	vst v11  }
0x80: {  	s10 =	sshll.u32 s11, $0x9;
	s11 =	sand.u32 $0x7, s4;
	v19 =	vld.idx.msk [tilespmem:v17+s2+$0x0], $0xffff;
	[tilespmem:s9+$0x50] =	vst v10  }
0x81: {  	v27 =	vadd.s32 s26, v6;
	s29 =	smov.u32 s18;
	s18 =	smov.u32 s24;
	v9 =	vadd.s32 s24, v7;
	s24 =	sshll.u32 s11, $0x7;
	v17 =	vld.idx.msk [tilespmem:v22+s2+$0x0], $0xffff;
	[tilespmem:s14+$0x50] =	vst v24  }
0x82: {  	p0 =	por !p0, !p0;
	s6 =	sadd.s32 $0x800, s24;
	v24 =	vld.idx.msk [tilespmem:v14+s2+$0x0], $0xffff;
	[tilespmem:s28+$0x50] =	vst v25  }
0x83: {  	s24 =	smov.u32 s28;
	s28 =	sadd.s32 $0x80, s12;
	v21 =	vld.idx.msk [tilespmem:v21+s2+$0x0], $0xffff;
	[dreg:$0x7] =	wrdreg s12  }
0x84: {  	v23 =	vadd.s32 s19, v6;
	s31 =	sadd.s32 $0x0, s10;
	s10 =	simm.s32 $0x2;
	[dreg:$0xa] =	wrdreg s28  }
0x85: {  	v12 =	vadd.s32 s26, v7;
	v15 =	vadd.s32 s25, v3;
	v20 =	vadd.s32 s0, v8;
	s11 =	smov.u32 s16;
	s0 =	simm.s32 $0xC;
	s30 =	sand.u32 $0x3, s10;
	[tilespmem:s1+$0x20] =	vst v26  }
0x86: {  	v18 =	vadd.s32 s20, v3;
	v11 =	vadd.s32 s8, v3;
	v14 =	vadd.s32 s16, v3;
	s16 =	sshll.u32 s30, $0x8;
	s30 =	sadd.s32 $0x80, s6;
	v25 =	vld.idx.msk [tilespmem:v27+s2+$0x0], $0xffff;
	[dreg:$0xd] =	wrdreg s6  }
0x87: {  	v10 =	vadd.s32 s7, v7;
	v22 =	vadd.s32 s7, v1;
	s12 =	simm.s32 $0x8;
	v26 =	vadd.s32 s21, v7;
	[dreg:$0x5] =	wrdreg s30;
	s6 =	simm.s32 $0x400  }
.LBB2_2:
0x88: {  	[dreg:$0x13] =	wrdreg s19  }
0x89: {  	s30 =	smulhi.u32 $0xAAAAAAAB, s0;
	s28 =	rddreg [dreg:$0xc]  }
0x8a: {  	s12 =	sadd.s32 $0x4, s12;
	s6 =	sand.u32 $0x200, s6;
	s16 =	sadd.s32 s28, s16;
	[tilespmem:s5+$0x20] =	vst v16  }
0x8b: {  	s15 =	sadd.s32 s6, s15;
	s19 =	sshrl.u32 s30, $0x3;
	s6 =	sadd.s32 $0x100, s16;
	[tilespmem:s29+$0x20] =	vst v17;
	v16 =	vld.idx.msk [tilespmem:v23+s2+$0x0], $0xffff  }
0x8c: {  	s16 =	smov.u32 s17;
	[dreg:$0x12] =	wrdreg s6;
	v18 =	vld.idx.msk [tilespmem:v18+s2+$0x0], $0xffff;
	[tilespmem:s23+$0x70] =	vst v13;
	s23 =	simm.s32 $0x1  }
0x8d: {  	s6 =	smul.u32 $0xB, s19;
	[dreg:$0xc] =	wrdreg s16;
	[tilespmem:s22+$0x60] =	vst v24;
	v24 =	vld.idx.msk [tilespmem:v15+s2+$0x0], $0xffff;
	s23 =	simm.s32 @!p0 $0x0  }
0x8e: {  	v23 =	vld.idx.msk [tilespmem:v26+s2+$0x0], $0xffff;
	v26 =	vadd.s32 s21, v8;
	s21 =	rddreg [dreg:$0x8];
	s30 =	sshll.u32 s23, $0x9;
	s23 =	smov.u32 s14  }
0x8f: {  	[tilespmem:s15+$0x0] =	vst v19;
	v19 =	vld.idx.msk [tilespmem:v20+s2+$0x0], $0xffff;
	s14 =	smov.u32 s5;
	s5 =	sadd.s32 s12, s6;
	s19 =	sadd.s32 s30, s28  }
0x90: {  	v17 =	vadd.s32 s13, v7;
	v20 =	vld.idx.msk [tilespmem:v22+s2+$0x0], $0xffff;
	[tilespmem:s24+$0x60] =	vst v25;
	s6 =	sadd.s32 $0x108, s5;
	s16 =	sadd.s32 $0x109, s5;
	s30 =	sadd.s32 $0x10A, s5  }
0x91: {  	[tilespmem:s9+$0x60] =	vst v21;
	v13 =	vadd.s32 s18, v2;
	v21 =	vld.idx.msk [tilespmem:v12+s2+$0x0], $0xffff;
	v12 =	vmovc v9;
	v9 =	vmovc v10;
	v15 =	vadd.s32 s6, v0;
	v10 =	vadd.s32 s6, v7;
	s28 =	smov.u32 s6;
	s6 =	sadd.s32 $0x10B, s5;
	s5 =	rddreg [dreg:$0xa]  }
0x92: {  	v22 =	vadd.s32 s20, v4;
	[dreg:$0xf] =	wrdreg s28  }
0x93: {  	v28 =	vld.idx.msk [tilespmem:v11+s2+$0x0], $0xffff;
	s28 =	smov.u32 s11;
	[tilespmem:s22+$0x70] =	vst v23;
	s22 =	rddreg [dreg:$0x5]  }
0x94: {  	s11 =	smov.u32 s5;
	[dreg:$0xe] =	wrdreg s28  }
0x95: {  	v25 =	vadd.s32 s26, v8;
	s26 =	smov.u32 s18;
	s18 =	smov.u32 s7;
	v17 =	vld.idx.msk [tilespmem:v17+s2+$0x0], $0xffff;
	[dreg:$0x8] =	wrdreg s11  }
0x96: {  	s7 =	sor.u32 $0x400, s21;
	v27 =	vadd.s32 s30, v0;
	[tilespmem:s14+$0x30] =	vst v18;
	v13 =	vld.idx.msk [tilespmem:v13+s2+$0x0], $0xffff;
	s28 =	smov.u32 s22;
	s11 =	rddreg [dreg:$0x4]  }
0x97: {  	s21 =	smov.u32 s8;
	s8 =	smov.u32 s1;
	v22 =	vld.idx.msk [tilespmem:v22+s2+$0x0], $0xffff;
	[tilespmem:s23+$0x60] =	vst v16;
	[dreg:$0xa] =	wrdreg s28  }
0x98: {  	v18 =	vadd.s32 s16, v0;
	[tilespmem:s7+$0x280] =	vst v19;
	s7 =	smov.u32 s20;
	s20 =	smov.u32 s30;
	s30 =	rddreg [dreg:$0x3]  }
0x99: {  	s4 =	sadd.s32 $0x4, s4;
	s3 =	sadd.s32 $0x200, s3;
	[tilespmem:s29+$0x30] =	vst v24;
	v16 =	vadd.s32 s26, v3;
	[dreg:$0x3] =	wrdreg s8  }
0x9a: {  	v11 =	vmov v14;
	v24 =	vadd.s32 s21, v4;
	v14 =	vld.idx.msk [tilespmem:v26+s2+$0x0], $0xffff;
	[tilespmem:s24+$0x70] =	vst v21;
	s28 =	smov.u32 s11;
	s8 =	smov.u32 s15;
	s24 =	sand.u32 $0x7, s4  }
0x9b: {  	v19 =	vadd.s32 s6, v0;
	s11 =	rddreg [dreg:$0xb];
	s22 =	smov.u32 s30;
	s30 =	sor.u32 $0x400, s31;
	v23 =	vld.idx.msk [tilespmem:v27+s2+$0x0], $0xffff;
	[tilespmem:s28+$0x20] =	vst v13  }
0x9c: {  	v21 =	vadd.s32 s25, v4;
	[tilespmem:s9+$0x70] =	vst v17;
	s1 =	sshll.u32 s24, $0x7;
	s24 =	sadd.s32 $0x400, s17;
	s31 =	rddreg [dreg:$0x13];
	v13 =	vld.idx.msk [tilespmem:v25+s2+$0x0], $0xffff  }
0x9d: {  	s5 =	sor.u32 $0x400, s11;
	s17 =	sadd.s32 $0xFFFFFF80, s3;
	s15 =	sand.u32 $0x7800, s24;
	v29 =	vadd.s32 s31, v7;
	v18 =	vld.idx.msk [tilespmem:v18+s2+$0x0], $0xffff;
	[tilespmem:s8+$0x10] =	vst v20  }
0x9e: {  	[dreg:$0x4] =	wrdreg s8;
	[tilespmem:s22+$0x30] =	vst v28;
	s15 =	sor.u32 $0x280, s15;
	v20 =	vadd.s32 s13, v8;
	s13 =	sand.u32 $0x300, s17;
	v16 =	vld.idx.msk [tilespmem:v16+s2+$0x0], $0xffff  }
0x9f: {  	s11 =	sadd.s32 $0xFFFFFF00, s3;
	v24 =	vld.idx.msk [tilespmem:v24+s2+$0x0], $0xffff;
	v25 =	vadd.s32 s20, v1;
	s8 =	sadd.s32 s24, s1;
	[tilespmem:s5+$0x280] =	vst v14;
	s1 =	sadd.s32 s13, s15  }
0xa0: {  	v26 =	vadd.s32 s16, v1;
	s17 =	sand.u32 $0x280, s11;
	v17 =	vld.idx.msk [tilespmem:v19+s2+$0x0], $0xffff;
	[tilespmem:s1+$0x0] =	vst v23  }
0xa1: {  	v27 =	vadd.s32 s26, v4;
	s11 =	sadd.s32 $0x80, s8;
	s5 =	sadd.s32 s17, s15;
	v14 =	vld.idx.msk [tilespmem:v21+s2+$0x0], $0xffff;
	s13 =	rddreg [dreg:$0x12];
	[tilespmem:s30+$0x280] =	vst v13  }
0xa2: {  	v19 =	vadd.s32 s6, v1;
	[dreg:$0x5] =	wrdreg s11;
	s17 =	smov.u32 s13;
	s11 =	sand.u32 $0x380, s3;
	v13 =	vld.idx.msk [tilespmem:v29+s2+$0x0], $0xffff;
	[tilespmem:s5+$0x0] =	vst v18  }
0xa3: {  	s13 =	smov.u32 s25;
	[dreg:$0xb] =	wrdreg s17;
	s17 =	smov.u32 s4;
	v20 =	vld.idx.msk [tilespmem:v20+s2+$0x0], $0xffff;
	[tilespmem:s28+$0x30] =	vst v16;
	v16 =	vadd.s32 s21, v5  }
0xa4: {  	s4 =	smov.u32 s10;
	s10 =	smov.u32 s19;
	s19 =	sadd.s32 s11, s15;
	v18 =	vadd.s32 s13, v5;
	v25 =	vld.idx.msk [tilespmem:v25+s2+$0x0], $0xffff;
	[tilespmem:s22+$0x40] =	vst v24  }
0xa5: {  	s11 =	rddreg [dreg:$0x7];
	[tilespmem:s19+$0x0] =	vst v17;
	v17 =	vadd.s32 s7, v5;
	v26 =	vld.idx.msk [tilespmem:v26+s2+$0x0], $0xffff  }
0xa6: {  	s9 =	smov.u32 s29;
	v21 =	vadd.s32 s20, v2;
	s25 =	smov.u32 s6;
	s6 =	sadd.s32 $0x180, s11;
	[tilespmem:s14+$0x40] =	vst v22;
	v23 =	vld.idx.msk [tilespmem:v27+s2+$0x0], $0xffff  }
0xa7: {  	v61 =	vadd.s32 s26, v5;
	s6 =	sor.u32 $0x400, s6;
	v19 =	vld.idx.msk [tilespmem:v19+s2+$0x0], $0xffff;
	[tilespmem:s9+$0x40] =	vst v14  }
0xa8: {  	v27 =	vadd.s32 s16, v2;
	[tilespmem:s6+$0x280] =	vst v20;
	v62 =	vld.idx.msk [tilespmem:v16+s2+$0x0], $0xffff  }
0xa9: {  	v20 =	vld.idx.msk [tilespmem:v18+s2+$0x0], $0xffff;
	[tilespmem:s1+$0x10] =	vst v25  }
0xaa: {  	s29 =	rddreg [dreg:$0xd];
	v24 =	vadd.s32 s25, v2;
	v22 =	vld.idx.msk [tilespmem:v17+s2+$0x0], $0xffff;
	[tilespmem:s5+$0x10] =	vst v26  }
0xab: {  	s0 =	sadd.s32 $0x4, s0;
	v30 =	vadd.s32 s21, v6;
	s30 =	smov.u32 s29;
	[tilespmem:s28+$0x40] =	vst v23;
	v26 =	vld.idx.msk [tilespmem:v21+s2+$0x0], $0xffff  }
0xac: {  	p1 =	slt.u32 s12, $0x44;
	p0 =	por !p0, !p0;
	[dreg:$0x7] =	wrdreg s30;
	v21 =	vadd.s32 s13, v6;
	v25 =	vld.idx.msk [tilespmem:v61+s2+$0x0], $0xffff  }
0xad: {  	v63 =	vadd.s32 s26, v6;
	s11 =	smov.u32 s20;
	s30 =	smov.u32 s8;
	s8 =	rddreg [dreg:$0xe];
	v16 =	vld.idx.msk [tilespmem:v27+s2+$0x0], $0xffff;
	[tilespmem:s19+$0x10] =	vst v19  }
.Ltmp0:
0xae: {  	s29 =	smov.u32 s19;
	[dreg:$0xd] =	wrdreg s30;
	v19 =	vld.idx.msk [tilespmem:v15+s2+$0x0], $0xffff;
	[tilespmem:s22+$0x50] =	vst v62;
	(pc) =	sbr.rel @p1 .LBB2_2-.Ltmp0, $4  }
0xaf: {  	v14 =	vadd.s32 s20, v3;
	s20 =	smov.u32 s4;
	s4 =	smov.u32 s17;
	s17 =	smov.u32 s24;
	v17 =	vld.idx.msk [tilespmem:v24+s2+$0x0], $0xffff;
	[tilespmem:s9+$0x50] =	vst v20  }
0xb0: {  	s24 =	smov.u32 s28;
	v18 =	vadd.s32 s16, v3;
	[tilespmem:s14+$0x50] =	vst v22;
	v20 =	vadd.s32 s31, v8;
	s31 =	smov.u32 s10;
	s10 =	sadd.s32 $0x2, s20;
	v24 =	vld.idx.msk [tilespmem:v30+s2+$0x0], $0xffff  }
0xb1: {  	v23 =	vadd.s32 s7, v6;
	s19 =	smov.u32 s7;
	s7 =	rddreg [dreg:$0xf];
	v15 =	vadd.s32 s25, v3;
	s30 =	sand.u32 $0x3, s10;
	v21 =	vld.idx.msk [tilespmem:v21+s2+$0x0], $0xffff;
	[tilespmem:s28+$0x50] =	vst v25  }
0xb2: {  	s6 =	sadd.s32 $0xFFFFFE80, s3;
	s20 =	smov.u32 s16;
	v22 =	vadd.s32 s7, v1;
	[tilespmem:s1+$0x20] =	vst v26;
	v26 =	vadd.s32 s21, v7;
	s16 =	sshll.u32 s30, $0x8;
	v25 =	vld.idx.msk [tilespmem:v63+s2+$0x0], $0xffff  }
0xb3: {  	_ =	sdelay $0x1  }
0xb4: {  	v62 =	vadd.s32 s13, v7;
	_ =	sdelay $0x1  }
0xb5: {  	v23 =	vld.idx.msk [tilespmem:v23+s2+$0x0], $0xffff;
	[tilespmem:s22+$0x60] =	vst v24  }
0xb6: {  	v26 =	vld.idx.msk [tilespmem:v26+s2+$0x0], $0xffff;
	[tilespmem:s24+$0x60] =	vst v25  }
0xb7: {  	s0 =	sand.u32 $0x200, s6;
	[tilespmem:s9+$0x60] =	vst v21;
	v12 =	vld.idx.msk [tilespmem:v12+s2+$0x0], $0xffff  }
0xb8: {  	v30 =	vadd.s32 s19, v7;
	[tilespmem:s23+$0x70] =	vst v13;
	s0 =	sadd.s32 s0, s15;
	v13 =	vld.idx.msk [tilespmem:v62+s2+$0x0], $0xffff  }
0xb9: {  	v63 =	vadd.s32 s21, v8;
	[tilespmem:s0+$0x0] =	vst v19  }
0xba: {  	v27 =	vadd.s32 s26, v8;
	[tilespmem:s14+$0x60] =	vst v23  }
0xbb: {  	v20 =	vld.idx.msk [tilespmem:v20+s2+$0x0], $0xffff;
	[tilespmem:s22+$0x70] =	vst v26  }
0xbc: {  	[tilespmem:s24+$0x70] =	vst v12  }
0xbd: {  	v33 =	vld.idx.msk [tilespmem:v30+s2+$0x0], $0xffff;
	[tilespmem:s9+$0x70] =	vst v13  }
0xbe: {  	v31 =	vadd.s32 s13, v8;
	v25 =	vld.idx.msk [tilespmem:v63+s2+$0x0], $0xffff;
	s3 =	rddreg [dreg:$0x8]  }
0xbf: {  	v32 =	vld.idx.msk [tilespmem:v27+s2+$0x0], $0xffff;
	s3 =	sor.u32 $0x400, s3  }
0xc0: {  	[tilespmem:s3+$0x280] =	vst v20  }
0xc1: {  	v12 =	vadd.s32 s18, v2;
	s3 =	rddreg [dreg:$0xb]  }
0xc2: {  	v34 =	vld.idx.msk [tilespmem:v22+s2+$0x0], $0xffff;
	[tilespmem:s14+$0x70] =	vst v33;
	s3 =	sor.u32 $0x400, s3  }
0xc3: {  	v36 =	vadd.s32 s7, v2;
	s23 =	sor.u32 $0x400, s31;
	v35 =	vld.idx.msk [tilespmem:v31+s2+$0x0], $0xffff;
	[tilespmem:s3+$0x280] =	vst v25  }
0xc4: {  	v13 =	vadd.s32 s19, v8;
	[tilespmem:s23+$0x280] =	vst v32  }
0xc5: {  	s3 =	rddreg [dreg:$0x7]  }
0xc6: {  	v12 =	vld.idx.msk [tilespmem:v12+s2+$0x0], $0xffff;
	s3 =	sadd.s32 $0x180, s3  }
0xc7: {  	v37 =	vadd.s32 s18, v3;
	[tilespmem:s0+$0x10] =	vst v34;
	s3 =	sor.u32 $0x400, s3  }
0xc8: {  	v38 =	vld.idx.msk [tilespmem:v36+s2+$0x0], $0xffff;
	[tilespmem:s3+$0x280] =	vst v35  }
0xc9: {  	v13 =	vld.idx.msk [tilespmem:v13+s2+$0x0], $0xffff;
	s24 =	rddreg [dreg:$0x4];
	[tilespmem:s29+$0x20] =	vst v17  }
0xca: {  	[tilespmem:s5+$0x20] =	vst v16  }
0xcb: {  	v11 =	vld.idx.msk [tilespmem:v11+s2+$0x0], $0xffff;
	[tilespmem:s24+$0x20] =	vst v12;
	v12 =	vadd.s32 s7, v3  }
0xcc: {  	v39 =	vadd.s32 s8, v4;
	v40 =	vld.idx.msk [tilespmem:v37+s2+$0x0], $0xffff;
	s3 =	rddreg [dreg:$0xa]  }
0xcd: {  	v41 =	vadd.s32 s18, v4;
	v15 =	vld.idx.msk [tilespmem:v15+s2+$0x0], $0xffff;
	[tilespmem:s0+$0x20] =	vst v38;
	s3 =	sor.u32 $0x400, s3  }
0xce: {  	v42 =	vadd.s32 s25, v4;
	[tilespmem:s3+$0x280] =	vst v13;
	v13 =	vld.idx.msk [tilespmem:v18+s2+$0x0], $0xffff  }
0xcf: {  	v43 =	vadd.s32 s20, v4;
	v14 =	vld.idx.msk [tilespmem:v14+s2+$0x0], $0xffff;
	s4 =	rddreg [dreg:$0x3]  }
0xd0: {  	[tilespmem:s4+$0x30] =	vst v11;
	v11 =	vadd.s32 s11, v4;
	v12 =	vld.idx.msk [tilespmem:v12+s2+$0x0], $0xffff  }
0xd1: {  	v44 =	vadd.s32 s7, v4;
	v17 =	vld.idx.msk [tilespmem:v39+s2+$0x0], $0xffff;
	[tilespmem:s24+$0x30] =	vst v40  }
0xd2: {  	[tilespmem:s29+$0x30] =	vst v15;
	v15 =	vadd.s32 s8, v5;
	v16 =	vld.idx.msk [tilespmem:v41+s2+$0x0], $0xffff  }
0xd3: {  	v45 =	vadd.s32 s18, v5;
	[tilespmem:s5+$0x30] =	vst v13;
	v13 =	vld.idx.msk [tilespmem:v42+s2+$0x0], $0xffff  }
0xd4: {  	v47 =	vadd.s32 s25, v5;
	[tilespmem:s1+$0x30] =	vst v14;
	v46 =	vld.idx.msk [tilespmem:v43+s2+$0x0], $0xffff  }
0xd5: {  	v14 =	vadd.s32 s20, v5;
	v11 =	vld.idx.msk [tilespmem:v11+s2+$0x0], $0xffff;
	[tilespmem:s0+$0x30] =	vst v12  }
0xd6: {  	v12 =	vadd.s32 s11, v5;
	[tilespmem:s4+$0x40] =	vst v17;
	v48 =	vld.idx.msk [tilespmem:v44+s2+$0x0], $0xffff  }
0xd7: {  	v49 =	vadd.s32 s7, v5;
	v15 =	vld.idx.msk [tilespmem:v15+s2+$0x0], $0xffff;
	[tilespmem:s24+$0x40] =	vst v16  }
0xd8: {  	v50 =	vadd.s32 s8, v6;
	[tilespmem:s29+$0x40] =	vst v13;
	v13 =	vld.idx.msk [tilespmem:v45+s2+$0x0], $0xffff  }
0xd9: {  	v52 =	vadd.s32 s18, v6;
	[tilespmem:s5+$0x40] =	vst v46;
	v51 =	vld.idx.msk [tilespmem:v47+s2+$0x0], $0xffff  }
0xda: {  	v53 =	vadd.s32 s25, v6;
	v14 =	vld.idx.msk [tilespmem:v14+s2+$0x0], $0xffff;
	[tilespmem:s1+$0x40] =	vst v11  }
0xdb: {  	v11 =	vadd.s32 s20, v6;
	v12 =	vld.idx.msk [tilespmem:v12+s2+$0x0], $0xffff;
	[tilespmem:s0+$0x40] =	vst v48  }
0xdc: {  	v54 =	vadd.s32 s11, v6;
	[tilespmem:s4+$0x50] =	vst v15;
	v15 =	vld.idx.msk [tilespmem:v49+s2+$0x0], $0xffff  }
0xdd: {  	v55 =	vld.idx.msk [tilespmem:v50+s2+$0x0], $0xffff;
	[tilespmem:s24+$0x50] =	vst v13;
	v13 =	vadd.s32 s7, v6  }
0xde: {  	v57 =	vadd.s32 s8, v7;
	[tilespmem:s29+$0x50] =	vst v51;
	v56 =	vld.idx.msk [tilespmem:v52+s2+$0x0], $0xffff  }
0xdf: {  	[tilespmem:s5+$0x50] =	vst v14;
	v14 =	vld.idx.msk [tilespmem:v53+s2+$0x0], $0xffff  }
0xe0: {  	v58 =	vadd.s32 s25, v7;
	v11 =	vld.idx.msk [tilespmem:v11+s2+$0x0], $0xffff;
	[tilespmem:s1+$0x50] =	vst v12  }
0xe1: {  	v12 =	vadd.s32 s20, v7;
	v16 =	vld.idx.msk [tilespmem:v54+s2+$0x0], $0xffff;
	[tilespmem:s0+$0x50] =	vst v15  }
0xe2: {  	v15 =	vadd.s32 s11, v7;
	[tilespmem:s4+$0x60] =	vst v55;
	v13 =	vld.idx.msk [tilespmem:v13+s2+$0x0], $0xffff  }
0xe3: {  	v17 =	vld.idx.msk [tilespmem:v57+s2+$0x0], $0xffff;
	[tilespmem:s24+$0x60] =	vst v56  }
0xe4: {  	v59 =	vadd.s32 s8, v8;
	[tilespmem:s29+$0x60] =	vst v14;
	v9 =	vld.idx.msk [tilespmem:v9+s2+$0x0], $0xffff  }
0xe5: {  	[tilespmem:s5+$0x60] =	vst v11;
	v11 =	vld.idx.msk [tilespmem:v58+s2+$0x0], $0xffff  }
0xe6: {  	v12 =	vld.idx.msk [tilespmem:v12+s2+$0x0], $0xffff;
	[tilespmem:s1+$0x60] =	vst v16  }
0xe7: {  	v14 =	vadd.s32 s18, v8;
	v15 =	vld.idx.msk [tilespmem:v15+s2+$0x0], $0xffff;
	[tilespmem:s0+$0x60] =	vst v13  }
0xe8: {  	v60 =	vadd.s32 s25, v8;
	[tilespmem:s4+$0x70] =	vst v17;
	v10 =	vld.idx.msk [tilespmem:v10+s2+$0x0], $0xffff  }
0xe9: {  	s25 =	simm.s32 $0x48;
	s3 =	simm.s32 $0x1;
	v13 =	vadd.s32 s11, v8;
	[tilespmem:s24+$0x70] =	vst v9;
	v9 =	vld.idx.msk [tilespmem:v59+s2+$0x0], $0xffff  }
0xea: {  	s30 =	sadd.s32 $0x2, s10;
	v62 =	vadd.s32 s7, v8;
	s3 =	simm.s32 @!p0 $0x0;
	s26 =	rddreg [dreg:$0xc];
	[tilespmem:s29+$0x70] =	vst v11  }
0xeb: {  	v61 =	vadd.s32 s20, v8;
	p0 =	por !p0, !p0;
	s3 =	sshll.u32 s3, $0x9;
	s28 =	sadd.s32 s26, s16;
	[tilespmem:s5+$0x70] =	vst v12  }
0xec: {  	s7 =	sand.u32 $0x3, s30;
	s4 =	smulhi.u32 $0xAAAAAAAB, s25;
	v14 =	vld.idx.msk [tilespmem:v14+s2+$0x0], $0xffff;
	s6 =	sadd.s32 $0x100, s28;
	[tilespmem:s1+$0x70] =	vst v15  }
0xed: {  	s8 =	sshll.u32 s7, $0x8;
	s7 =	simm.s32 $0x1;
	v11 =	vld.idx.msk [tilespmem:v60+s2+$0x0], $0xffff;
	s11 =	sor.u32 $0x400, s6;
	[tilespmem:s0+$0x70] =	vst v10  }
0xee: {  	s10 =	sadd.s32 s17, s8;
	s7 =	simm.s32 @!p0 $0x0;
	s4 =	sshrl.u32 s4, $0x3;
	v13 =	vld.idx.msk [tilespmem:v13+s2+$0x0], $0xffff;
	[tilespmem:s11+$0x280] =	vst v9  }
0xef: {  	s3 =	sadd.s32 s3, s26;
	s9 =	smul.u32 $0xB, s4;
	v9 =	vld.idx.msk [tilespmem:v62+s2+$0x0], $0xffff;
	s13 =	rddreg [dreg:$0xd]  }
0xf0: {  	s15 =	sadd.s32 $0x100, s10;
	v12 =	vld.idx.msk [tilespmem:v61+s2+$0x0], $0xffff;
	s12 =	sor.u32 $0x400, s3;
	s3 =	sadd.s32 $0x180, s13  }
0xf1: {  	s18 =	sshll.u32 s7, $0x9;
	s14 =	sadd.s32 $0x0, s9;
	[tilespmem:s12+$0x280] =	vst v14;
	s16 =	sor.u32 $0x400, s3  }
0xf2: {  	s19 =	sor.u32 $0x400, s15;
	s9 =	sadd.s32 $0x150, s14;
	s3 =	sadd.s32 s18, s17;
	[tilespmem:s16+$0x280] =	vst v11  }
0xf3: {  	s7 =	sadd.s32 $0x153, s14;
	v10 =	vadd.s32 s9, v0;
	s3 =	sor.u32 $0x400, s3;
	s0 =	rddreg [dreg:$0x5];
	[tilespmem:s19+$0x280] =	vst v13  }
0xf4: {  	s1 =	sadd.s32 $0x152, s14;
	v11 =	vadd.s32 s7, v0;
	[tilespmem:s3+$0x280] =	vst v9;
	s0 =	sor.u32 $0x400, s0  }
0xf5: {  	[tilespmem:s0+$0x280] =	vst v12;
	s0 =	sadd.s32 $0x151, s14;
	v12 =	vadd.s32 s1, v0  }
0xf6: {  	s20 =	simm.s32 $0x280;
	s18 =	simm.s32 $0x0;
	v9 =	vadd.s32 s0, v0;
	s3 =	rddreg [dreg:$0x15]  }
0xf7: {  	[hbm4b:s3+s18] =	stream.linear.scatter [tilespmem:s20], [sflag:$0x1], $0x4800, $0x38;
	[tilespmem:$0x9280] =	vst v63  }
0xf8: {  	v10 =	vld.idx.msk [tilespmem:v10+s2+$0x0], $0xffff  }
0xf9: {  	s11 =	simm.s32 $0x4800;
	v13 =	vadd.s32 s9, v1;
	v11 =	vld.idx.msk [tilespmem:v11+s2+$0x0], $0xffff  }
0xfa: {  	s22 =	simm.s32 $0x2400;
	s21 =	sand.u32 $0xF800, s11;
	v14 =	vadd.s32 s7, v1;
	v12 =	vld.idx.msk [tilespmem:v12+s2+$0x0], $0xffff  }
0xfb: {  	s23 =	simm.s32 $0x2580;
	s4 =	sand.u32 $0x200, s22;
	v15 =	vadd.s32 s1, v1;
	s3 =	sor.u32 $0x280, s21;
	v9 =	vld.idx.msk [tilespmem:v9+s2+$0x0], $0xffff  }
0xfc: {  	s25 =	sand.u32 $0x380, s23;
	s24 =	simm.s32 $0x2500;
	v63 =	vadd.s32 s0, v1;
	s6 =	sadd.s32 s4, s3  }
0xfd: {  	s26 =	simm.s32 $0x2480;
	s28 =	sand.u32 $0x300, s24;
	s8 =	sadd.s32 s25, s3;
	[tilespmem:s6+$0x0] =	vst v10  }
0xfe: {  	s30 =	sand.u32 $0x280, s26;
	s29 =	sadd.s32 s28, s3;
	[tilespmem:s8+$0x0] =	vst v11;
	v10 =	vld.idx.msk [tilespmem:v13+s2+$0x0], $0xffff  }
0xff: {  	s5 =	sadd.s32 s30, s3;
	v11 =	vadd.s32 s9, v2;
	[tilespmem:s29+$0x0] =	vst v12;
	v12 =	vld.idx.msk [tilespmem:v14+s2+$0x0], $0xffff  }
0x100: {  	v13 =	vld.idx.msk [tilespmem:v15+s2+$0x0], $0xffff;
	[tilespmem:s5+$0x0] =	vst v9;
	v9 =	vadd.s32 s7, v2  }
0x101: {  	p2 =	por $0x1, $0x1;
	v14 =	vadd.s32 s1, v2;
	v15 =	vld.idx.msk [tilespmem:v63+s2+$0x0], $0xffff  }
.Ltmp1:
0x102: {  	_ = 	snop;
	(pc) =	sbr.rel @!p2 .LBB2_4-.Ltmp1, $4  }
0x103: {  	[tilespmem:s6+$0x10] =	vst v10  }
0x104: {  	[tilespmem:s8+$0x10] =	vst v12;
	v11 =	vld.idx.msk [tilespmem:v11+s2+$0x0], $0xffff  }
0x105: {  	s31 =	simm.s32 $0x4C00;
	p1 =	por $0x0, $0x0;
	p3 =	por $0x0, $0x0;
	[tilespmem:s29+$0x10] =	vst v13;
	v10 =	vld.idx.msk [tilespmem:v9+s2+$0x0], $0xffff  }
0x106: {  	p0 =	por $0x0, $0x0;
	s4 =	simm.s32 $0x4C;
	s3 =	simm.s32 $0x2780;
	v9 =	vadd.s32 s7, v3;
	v13 =	vadd.s32 s9, v3;
	[tilespmem:s5+$0x10] =	vst v15;
	v12 =	vld.idx.msk [tilespmem:v14+s2+$0x0], $0xffff  }
0x107: {  	s4 =	smulhi.u32 $0xAAAAAAAB, s4;
	_ =	sdelay $0x1  }
0x108: {  	s4 =	sshrl.u32 s4, $0x3  }
0x109: {  	s4 =	smul.u32 $0xB, s4  }
0x10a: {  	[tilespmem:s8+$0x20] =	vst v10  }
0x10b: {  	v14 =	vadd.s32 s1, v3;
	v9 =	vld.idx.msk [tilespmem:v9+s2+$0x0], $0xffff;
	s4 =	sadd.s32 $0x4, s4  }
0x10c: {  	v15 =	vadd.s32 s7, v4;
	s22 =	sadd.s32 $0x150, s4  }
0x10d: {  	s28 =	sadd.s32 $0x152, s4;
	v10 =	vadd.s32 s22, v0  }
0x10e: {  	[tilespmem:s6+$0x20] =	vst v11;
	v11 =	vadd.s32 s28, v0  }
0x10f: {  	v13 =	vld.idx.msk [tilespmem:v13+s2+$0x0], $0xffff;
	[tilespmem:s29+$0x20] =	vst v12;
	s16 =	sadd.s32 $0x151, s4  }
0x110: {  	v14 =	vld.idx.msk [tilespmem:v14+s2+$0x0], $0xffff;
	s15 =	sadd.s32 $0x153, s4;
	v12 =	vadd.s32 s16, v0;
	[tilespmem:s8+$0x30] =	vst v9  }
0x111: {  	v16 =	vadd.s32 s15, v0;
	v15 =	vld.idx.msk [tilespmem:v15+s2+$0x0], $0xffff  }
0x112: {  	v17 =	vadd.s32 s0, v2;
	v9 =	vld.idx.msk [tilespmem:v10+s2+$0x0], $0xffff  }
0x113: {  	v18 =	vadd.s32 s7, v5;
	v11 =	vld.idx.msk [tilespmem:v11+s2+$0x0], $0xffff  }
0x114: {  	s26 =	sand.u32 $0xF800, s31;
	s10 =	simm.s32 $0x2600;
	[tilespmem:s6+$0x30] =	vst v13;
	v10 =	vadd.s32 s22, v1  }
0x115: {  	s12 =	simm.s32 $0x2700;
	s10 =	sand.u32 $0x200, s10;
	s4 =	sor.u32 $0x280, s26;
	v13 =	vadd.s32 s28, v1;
	[tilespmem:s29+$0x30] =	vst v14;
	v12 =	vld.idx.msk [tilespmem:v12+s2+$0x0], $0xffff  }
0x116: {  	s12 =	sand.u32 $0x300, s12;
	s14 =	sadd.s32 s10, s4;
	v14 =	vadd.s32 s16, v1;
	v16 =	vld.idx.msk [tilespmem:v16+s2+$0x0], $0xffff;
	[tilespmem:s8+$0x40] =	vst v15  }
0x117: {  	s30 =	simm.s32 $0x2680;
	v17 =	vld.idx.msk [tilespmem:v17+s2+$0x0], $0xffff;
	v19 =	vadd.s32 s15, v1;
	s17 =	sadd.s32 s12, s4;
	[tilespmem:s14+$0x0] =	vst v9  }
0x118: {  	s10 =	sand.u32 $0x280, s30;
	v15 =	vadd.s32 s0, v3;
	[tilespmem:s17+$0x0] =	vst v11;
	v11 =	vld.idx.msk [tilespmem:v18+s2+$0x0], $0xffff  }
0x119: {  	s3 =	sand.u32 $0x380, s3;
	s20 =	sadd.s32 s10, s4;
	v9 =	vld.idx.msk [tilespmem:v10+s2+$0x0], $0xffff;
	v10 =	vadd.s32 s9, v4  }
0x11a: {  	s21 =	sadd.s32 s3, s4;
	[tilespmem:s20+$0x0] =	vst v12;
	v13 =	vld.idx.msk [tilespmem:v13+s2+$0x0], $0xffff  }
0x11b: {  	[tilespmem:s21+$0x0] =	vst v16;
	v12 =	vld.idx.msk [tilespmem:v14+s2+$0x0], $0xffff;
	v14 =	vadd.s32 s7, v6  }
0x11c: {  	[tilespmem:s5+$0x20] =	vst v17;
	v16 =	vadd.s32 s22, v2;
	v17 =	vld.idx.msk [tilespmem:v19+s2+$0x0], $0xffff  }
0x11d: {  	v18 =	vadd.s32 s15, v2;
	v22 =	vld.idx.msk [tilespmem:v15+s2+$0x0], $0xffff;
	[tilespmem:s8+$0x50] =	vst v11  }
0x11e: {  	p2 =	por $0x1, $0x1;
	v21 =	vadd.s32 s28, v2;
	[tilespmem:s14+$0x10] =	vst v9;
	v20 =	vld.idx.msk [tilespmem:v10+s2+$0x0], $0xffff  }
.Ltmp2:
0x11f: {  	[tilespmem:s17+$0x10] =	vst v13;
	(pc) =	sbr.rel @!p2 .LBB2_6-.Ltmp2, $4  }
0x120: {  	[tilespmem:s20+$0x10] =	vst v12;
	v14 =	vld.idx.msk [tilespmem:v14+s2+$0x0], $0xffff  }
0x121: {  	v19 =	vadd.s32 s7, v7;
	v15 =	vadd.s32 s9, v5;
	[tilespmem:s21+$0x10] =	vst v17;
	v11 =	vld.idx.msk [tilespmem:v16+s2+$0x0], $0xffff  }
0x122: {  	s19 =	simm.s32 $0x5000;
	v9 =	vadd.s32 s15, v3;
	v17 =	vadd.s32 s1, v4;
	v10 =	vld.idx.msk [tilespmem:v18+s2+$0x0], $0xffff;
	[tilespmem:s5+$0x30] =	vst v22  }
0x123: {  	p1 =	por $0x1, $0x1;
	s3 =	simm.s32 $0x2980;
	s4 =	simm.s32 $0x50;
	v13 =	vadd.s32 s22, v3;
	v12 =	vld.idx.msk [tilespmem:v21+s2+$0x0], $0xffff;
	v18 =	vadd.s32 s0, v4;
	[tilespmem:s6+$0x40] =	vst v20  }
0x124: {  	_ =	sdelay $0x3  }
0x125: {  	s4 =	smulhi.u32 $0xAAAAAAAB, s4;
	v15 =	vld.idx.msk [tilespmem:v15+s2+$0x0], $0xffff  }
0x126: {  	v16 =	vadd.s32 s28, v3;
	v17 =	vld.idx.msk [tilespmem:v17+s2+$0x0], $0xffff;
	[tilespmem:s8+$0x60] =	vst v14  }
0x127: {  	s4 =	sshrl.u32 s4, $0x3;
	[tilespmem:s14+$0x20] =	vst v11;
	v11 =	vadd.s32 s9, v6;
	v14 =	vld.idx.msk [tilespmem:v19+s2+$0x0], $0xffff  }
0x128: {  	v19 =	vadd.s32 s1, v5;
	s4 =	smul.u32 $0xB, s4;
	v13 =	vld.idx.msk [tilespmem:v13+s2+$0x0], $0xffff;
	[tilespmem:s21+$0x20] =	vst v10  }
0x129: {  	v10 =	vld.idx.msk [tilespmem:v18+s2+$0x0], $0xffff;
	v18 =	vadd.s32 s7, v8;
	[tilespmem:s17+$0x20] =	vst v12  }
0x12a: {  	v20 =	vadd.s32 s16, v2;
	v9 =	vld.idx.msk [tilespmem:v9+s2+$0x0], $0xffff;
	s4 =	sadd.s32 $0x8, s4;
	[tilespmem:s6+$0x50] =	vst v15  }
0x12b: {  	v12 =	vld.idx.msk [tilespmem:v16+s2+$0x0], $0xffff;
	v15 =	vadd.s32 s0, v5;
	[tilespmem:s29+$0x40] =	vst v17;
	s13 =	sadd.s32 $0x150, s4  }
0x12c: {  	s23 =	sadd.s32 $0x152, s4;
	v16 =	vadd.s32 s13, v0;
	v11 =	vld.idx.msk [tilespmem:v11+s2+$0x0], $0xffff;
	[tilespmem:s8+$0x70] =	vst v14  }
0x12d: {  	v17 =	vadd.s32 s23, v0;
	v19 =	vld.idx.msk [tilespmem:v19+s2+$0x0], $0xffff;
	[tilespmem:s14+$0x30] =	vst v13  }
0x12e: {  	s12 =	sand.u32 $0x7, s18;
	v13 =	vadd.s32 s15, v4;
	v14 =	vld.idx.msk [tilespmem:v18+s2+$0x0], $0xffff;
	[tilespmem:s5+$0x40] =	vst v10  }
0x12f: {  	s7 =	sshll.u32 s12, $0x7;
	s18 =	sadd.s32 $0x151, s4;
	v18 =	vld.idx.msk [tilespmem:v20+s2+$0x0], $0xffff;
	v10 =	vadd.s32 s1, v6;
	[tilespmem:s21+$0x30] =	vst v9  }
0x130: {  	s30 =	sadd.s32 $0x153, s4;
	s4 =	sadd.s32 $0x4800, s7;
	v20 =	vadd.s32 s18, v0;
	v15 =	vld.idx.msk [tilespmem:v15+s2+$0x0], $0xffff;
	[tilespmem:s17+$0x30] =	vst v12  }
0x131: {  	s7 =	sadd.s32 $0x180, s4;
	v9 =	vadd.s32 s9, v7;
	v16 =	vld.idx.msk [tilespmem:v16+s2+$0x0], $0xffff;
	[tilespmem:s6+$0x60] =	vst v11  }
0x132: {  	s25 =	smov.u32 s16;
	s7 =	sor.u32 $0x400, s7;
	v12 =	vadd.s32 s30, v0;
	v17 =	vld.idx.msk [tilespmem:v17+s2+$0x0], $0xffff;
	[tilespmem:s29+$0x50] =	vst v19  }
0x133: {  	s16 =	sand.u32 $0xF800, s19;
	s11 =	simm.s32 $0x2800;
	s24 =	simm.s32 $0x2900;
	v11 =	vadd.s32 s13, v1;
	v13 =	vld.idx.msk [tilespmem:v13+s2+$0x0], $0xffff;
	[tilespmem:s7+$0x280] =	vst v14  }
0x134: {  	s12 =	smov.u32 s17;
	s17 =	sand.u32 $0x200, s11;
	v19 =	vadd.s32 s0, v6;
	v10 =	vld.idx.msk [tilespmem:v10+s2+$0x0], $0xffff;
	s7 =	sor.u32 $0x280, s16;
	[tilespmem:s20+$0x20] =	vst v18  }
0x135: {  	v14 =	vadd.s32 s15, v5;
	v20 =	vld.idx.msk [tilespmem:v20+s2+$0x0], $0xffff;
	s16 =	sand.u32 $0x300, s24;
	s26 =	sadd.s32 s17, s7;
	[tilespmem:s5+$0x50] =	vst v15  }
0x136: {  	v9 =	vld.idx.msk [tilespmem:v9+s2+$0x0], $0xffff;
	s16 =	sadd.s32 s16, s7;
	[tilespmem:s26+$0x0] =	vst v16  }
0x137: {  	v18 =	vadd.s32 s23, v1;
	v12 =	vld.idx.msk [tilespmem:v12+s2+$0x0], $0xffff;
	[tilespmem:s16+$0x0] =	vst v17  }
0x138: {  	v15 =	vadd.s32 s1, v7;
	v11 =	vld.idx.msk [tilespmem:v11+s2+$0x0], $0xffff;
	[tilespmem:s21+$0x40] =	vst v13  }
0x139: {  	s24 =	simm.s32 $0x4C00;
	s17 =	simm.s32 $0x2880;
	v16 =	vadd.s32 s18, v1;
	v13 =	vld.idx.msk [tilespmem:v19+s2+$0x0], $0xffff;
	[tilespmem:s29+$0x60] =	vst v10  }
0x13a: {  	s8 =	sand.u32 $0x280, s17;
	v17 =	vadd.s32 s30, v1;
	v14 =	vld.idx.msk [tilespmem:v14+s2+$0x0], $0xffff;
	[dreg:$0x9] =	wrdreg s24  }
0x13b: {  	s3 =	sand.u32 $0x380, s3;
	v19 =	vadd.s32 s9, v8;
	s9 =	smov.u32 s14;
	s14 =	sadd.s32 s8, s7;
	[tilespmem:s6+$0x70] =	vst v9  }
0x13c: {  	s31 =	sadd.s32 s3, s7;
	v10 =	vadd.s32 s0, v7;
	v18 =	vld.idx.msk [tilespmem:v18+s2+$0x0], $0xffff;
	[tilespmem:s14+$0x0] =	vst v20  }
0x13d: {  	v9 =	vadd.s32 s22, v4;
	v15 =	vld.idx.msk [tilespmem:v15+s2+$0x0], $0xffff;
	[tilespmem:s31+$0x0] =	vst v12  }
0x13e: {  	v12 =	vadd.s32 s25, v3;
	v16 =	vld.idx.msk [tilespmem:v16+s2+$0x0], $0xffff;
	[tilespmem:s26+$0x10] =	vst v11  }
0x13f: {  	v20 =	vadd.s32 s15, v6;
	v11 =	vld.idx.msk [tilespmem:v17+s2+$0x0], $0xffff;
	[tilespmem:s5+$0x60] =	vst v13  }
0x140: {  	v17 =	vadd.s32 s1, v8;
	v19 =	vld.idx.msk [tilespmem:v19+s2+$0x0], $0xffff;
	s1 =	simm.s32 $0x1;
	[tilespmem:s21+$0x50] =	vst v14  }
0x141: {  	s10 =	simm.s32 $0x4;
	v13 =	vadd.s32 s13, v2;
	v21 =	vld.idx.msk [tilespmem:v10+s2+$0x0], $0xffff;
	s1 =	simm.s32 @!p0 $0x0;
	[tilespmem:s16+$0x10] =	vst v18  }
0x142: {  	p4 =	por $0x1, $0x1;
	p2 =	por !p0, !p0;
	v10 =	vadd.s32 s30, v2;
	v18 =	vld.idx.msk [tilespmem:v9+s2+$0x0], $0xffff;
	s8 =	sshll.u32 s1, $0x9;
	[tilespmem:s29+$0x70] =	vst v15  }
0x143: {  	v22 =	vadd.s32 s0, v8;
	p3 =	por $0x1, $0x1;
	s11 =	simm.s32 $0x0;
	v23 =	vld.idx.msk [tilespmem:v12+s2+$0x0], $0xffff;
	s1 =	sadd.s32 $0x4800, s8;
	[tilespmem:s14+$0x10] =	vst v16  }
0x144: {  	s3 =	sadd.s32 $0x80, s4;
	s4 =	smov.u32 s28;
	v12 =	vadd.s32 s23, v2;
	v14 =	vld.idx.msk [tilespmem:v20+s2+$0x0], $0xffff;
	s1 =	sor.u32 $0x400, s1;
	[tilespmem:s31+$0x10] =	vst v11  }
.Ltmp3:
0x145: {  	s17 =	sand.u32 $0x3, s11;
	s0 =	simm.s32 $0x8;
	v16 =	vld.idx.msk [tilespmem:v17+s2+$0x0], $0xffff;
	[tilespmem:s1+$0x280] =	vst v19;
	(pc) =	sbr.rel @!p4 .LBB2_8-.Ltmp3, $4  }
0x146: {  	s24 =	smov.u32 s23;
	s23 =	smov.u32 s25;
	s25 =	sshll.u32 s17, $0x8;
	v11 =	vld.idx.msk [tilespmem:v13+s2+$0x0], $0xffff;
	[tilespmem:s5+$0x70] =	vst v21  }
0x147: {  	v9 =	vadd.s32 s30, v3;
	s17 =	smov.u32 s9;
	s6 =	sadd.s32 $0x4800, s25;
	s25 =	simm.s32 $0x2;
	v10 =	vld.idx.msk [tilespmem:v10+s2+$0x0], $0xffff;
	[tilespmem:s9+$0x40] =	vst v18  }
0x148: {  	v15 =	vadd.s32 s22, v5;
	s29 =	sadd.s32 $0x100, s6;
	s6 =	simm.s32 $0x2B80;
	v17 =	vadd.s32 s28, v4;
	v19 =	vadd.s32 s15, v7;
	v20 =	vld.idx.msk [tilespmem:v22+s2+$0x0], $0xffff;
	[dreg:$0x6] =	wrdreg s13  }
0x149: {  	s1 =	simm.s32 $0x5400;
	v13 =	vadd.s32 s13, v3;
	s5 =	simm.s32 $0x54;
	v18 =	vadd.s32 s23, v4;
	s13 =	sor.u32 $0x400, s29;
	v12 =	vld.idx.msk [tilespmem:v12+s2+$0x0], $0xffff;
	[tilespmem:s20+$0x30] =	vst v23  }
.LBB2_9:
0x14a: {  	_ =	sdelay $0x2  }
0x14b: {  	v15 =	vld.idx.msk [tilespmem:v15+s2+$0x0], $0xffff;
	[tilespmem:s13+$0x280] =	vst v16  }
0x14c: {  	s8 =	smulhi.u32 $0xAAAAAAAB, s5;
	[tilespmem:s21+$0x60] =	vst v14  }
0x14d: {  	s3 =	sor.u32 $0x400, s3;
	v18 =	vld.idx.msk [tilespmem:v18+s2+$0x0], $0xffff;
	v16 =	vadd.s32 s24, v3;
	[tilespmem:s26+$0x20] =	vst v11  }
0x14e: {  	s7 =	sand.u32 $0xF800, s1;
	s8 =	sshrl.u32 s8, $0x3;
	[tilespmem:s3+$0x280] =	vst v20;
	v20 =	vadd.s32 s18, v2;
	v17 =	vld.idx.msk [tilespmem:v17+s2+$0x0], $0xffff  }
0x14f: {  	s29 =	rddreg [dreg:$0x9];
	s0 =	sadd.s32 $0x4, s0;
	s28 =	smul.u32 $0xB, s8;
	v11 =	vadd.s32 s22, v6;
	v14 =	vld.idx.msk [tilespmem:v19+s2+$0x0], $0xffff;
	[tilespmem:s31+$0x20] =	vst v10  }
0x150: {  	s9 =	sor.u32 $0x280, s7;
	s7 =	smov.u32 s20;
	s20 =	smov.u32 s14;
	v13 =	vld.idx.msk [tilespmem:v13+s2+$0x0], $0xffff;
	[tilespmem:s17+$0x50] =	vst v15;
	v15 =	vadd.s32 s23, v5  }
0x151: {  	s14 =	smov.u32 s19;
	s19 =	smov.u32 s1;
	v10 =	vadd.s32 s4, v5;
	s28 =	sadd.s32 s28, s0;
	[tilespmem:s16+$0x20] =	vst v12;
	v12 =	vld.idx.msk [tilespmem:v9+s2+$0x0], $0xffff  }
0x152: {  	[dreg:$0x14] =	wrdreg s19;
	v19 =	vadd.s32 s15, v8;
	s19 =	sadd.s32 $0x150, s28;
	v16 =	vld.idx.msk [tilespmem:v16+s2+$0x0], $0xffff  }
0x153: {  	s8 =	smov.u32 s29;
	s29 =	sadd.s32 $0x152, s28;
	v21 =	vadd.s32 s19, v0;
	v20 =	vld.idx.msk [tilespmem:v20+s2+$0x0], $0xffff;
	[tilespmem:s7+$0x40] =	vst v18  }
0x154: {  	s11 =	sadd.s32 $0xFFFFFF00, s6;
	s15 =	smov.u32 s30;
	v22 =	vadd.s32 s29, v0;
	v11 =	vld.idx.msk [tilespmem:v11+s2+$0x0], $0xffff;
	[tilespmem:s12+$0x40] =	vst v17  }
0x155: {  	s13 =	sand.u32 $0x280, s11;
	s11 =	sadd.s32 $0x151, s28;
	[tilespmem:s26+$0x30] =	vst v13;
	v13 =	vadd.s32 s15, v4;
	v15 =	vld.idx.msk [tilespmem:v15+s2+$0x0], $0xffff  }
0x156: {  	[dreg:$0x10] =	wrdreg s24;
	v17 =	vadd.s32 s11, v0;
	[tilespmem:s21+$0x70] =	vst v14;
	s21 =	smov.u32 s31;
	v10 =	vld.idx.msk [tilespmem:v10+s2+$0x0], $0xffff  }
0x157: {  	[dreg:$0x9] =	wrdreg s14;
	s14 =	sand.u32 $0x7, s10;
	s24 =	smov.u32 s4;
	v14 =	vld.idx.msk [tilespmem:v19+s2+$0x0], $0xffff;
	[tilespmem:s21+$0x30] =	vst v12;
	v12 =	vadd.s32 s22, v7  }
0x158: {  	s3 =	sshll.u32 s14, $0x7;
	s30 =	sadd.s32 $0x153, s28;
	v18 =	vadd.s32 s24, v6;
	v21 =	vld.idx.msk [tilespmem:v21+s2+$0x0], $0xffff;
	[tilespmem:s16+$0x30] =	vst v16  }
0x159: {  	s4 =	sadd.s32 $0x48, s0;
	s28 =	smov.u32 s10;
	s10 =	sadd.s32 s8, s3;
	v19 =	vadd.s32 s30, v0;
	[tilespmem:s17+$0x60] =	vst v11;
	v16 =	vld.idx.msk [tilespmem:v22+s2+$0x0], $0xffff  }
0x15a: {  	p4 =	slt.u32 s4, $0x8C;
	s4 =	smov.u32 s23;
	s3 =	sadd.s32 $0x80, s10;
	v11 =	vadd.s32 s19, v1;
	[tilespmem:s20+$0x20] =	vst v20;
	v13 =	vld.idx.msk [tilespmem:v13+s2+$0x0], $0xffff  }
0x15b: {  	s14 =	sadd.s32 $0x180, s10;
	[dreg:$0x11] =	wrdreg s3;
	s31 =	sadd.s32 $0xFFFFFE80, s6;
	v22 =	vadd.s32 s4, v6;
	v17 =	vld.idx.msk [tilespmem:v17+s2+$0x0], $0xffff;
	[tilespmem:s7+$0x50] =	vst v15  }
0x15c: {  	s14 =	sor.u32 $0x400, s14;
	s3 =	sand.u32 $0x200, s31;
	s31 =	sadd.s32 $0xFFFFFF80, s6;
	v20 =	vadd.s32 s15, v5;
	[tilespmem:s12+$0x50] =	vst v10;
	v12 =	vld.idx.msk [tilespmem:v12+s2+$0x0], $0xffff  }
0x15d: {  	s23 =	smov.u32 s12;
	s31 =	sand.u32 $0x300, s31;
	v10 =	vadd.s32 s11, v1;
	[tilespmem:s14+$0x280] =	vst v14;
	s12 =	sadd.s32 s3, s9;
	v18 =	vld.idx.msk [tilespmem:v18+s2+$0x0], $0xffff  }
0x15e: {  	v14 =	vadd.s32 s29, v1;
	s14 =	sadd.s32 s13, s9;
	s13 =	sadd.s32 s31, s9;
	[tilespmem:s12+$0x0] =	vst v21;
	v15 =	vld.idx.msk [tilespmem:v19+s2+$0x0], $0xffff  }
0x15f: {  	v19 =	vadd.s32 s24, v7;
	v11 =	vld.idx.msk [tilespmem:v11+s2+$0x0], $0xffff;
	[tilespmem:s13+$0x0] =	vst v16  }
0x160: {  	v23 =	vadd.s32 s30, v1;
	[tilespmem:s21+$0x40] =	vst v13;
	v13 =	vld.idx.msk [tilespmem:v22+s2+$0x0], $0xffff  }
0x161: {  	s10 =	rddreg [dreg:$0x6];
	[tilespmem:s14+$0x0] =	vst v17;
	v16 =	vld.idx.msk [tilespmem:v20+s2+$0x0], $0xffff;
	v20 =	vadd.s32 s22, v8  }
0x162: {  	v21 =	vadd.s32 s19, v2;
	v22 =	vadd.s32 s4, v7;
	s22 =	smov.u32 s10;
	s10 =	smov.u32 s19;
	s19 =	sand.u32 $0x380, s6;
	v10 =	vld.idx.msk [tilespmem:v10+s2+$0x0], $0xffff;
	[tilespmem:s23+$0x60] =	vst v18  }
0x163: {  	[tilespmem:s17+$0x70] =	vst v12;
	s31 =	sadd.s32 s19, s9;
	v17 =	vadd.s32 s22, v4;
	v14 =	vld.idx.msk [tilespmem:v14+s2+$0x0], $0xffff  }
0x164: {  	s3 =	smov.u32 s26;
	s26 =	smov.u32 s12;
	v18 =	vld.idx.msk [tilespmem:v19+s2+$0x0], $0xffff;
	[tilespmem:s31+$0x0] =	vst v15;
	v15 =	vadd.s32 s18, v3  }
0x165: {  	[tilespmem:s26+$0x10] =	vst v11;
	v11 =	vld.idx.msk [tilespmem:v23+s2+$0x0], $0xffff;
	v23 =	vadd.s32 s24, v8  }
0x166: {  	s5 =	sadd.s32 $0x4, s5;
	s1 =	sadd.s32 $0x400, s1;
	s9 =	simm.s32 $0x1;
	[tilespmem:s7+$0x60] =	vst v13;
	v20 =	vld.idx.msk [tilespmem:v20+s2+$0x0], $0xffff  }
0x167: {  	s12 =	smov.u32 s18;
	v12 =	vadd.s32 s29, v2;
	s19 =	rddreg [dreg:$0x14];
	s9 =	simm.s32 @!p2 $0x0;
	[tilespmem:s21+$0x50] =	vst v16;
	v13 =	vld.idx.msk [tilespmem:v22+s2+$0x0], $0xffff  }
0x168: {  	v24 =	vadd.s32 s15, v6;
	s6 =	sadd.s32 $0x200, s6;
	[dreg:$0x6] =	wrdreg s10;
	s9 =	sshll.u32 s9, $0x9;
	v22 =	vld.idx.msk [tilespmem:v17+s2+$0x0], $0xffff;
	[tilespmem:s13+$0x10] =	vst v14  }
0x169: {  	v19 =	vadd.s32 s30, v2;
	s18 =	smov.u32 s11;
	s24 =	rddreg [dreg:$0x10];
	s9 =	sadd.s32 s8, s9;
	v26 =	vld.idx.msk [tilespmem:v15+s2+$0x0], $0xffff;
	[tilespmem:s23+$0x70] =	vst v18  }
0x16a: {  	v25 =	vadd.s32 s4, v8;
	s9 =	sor.u32 $0x400, s9;
	s23 =	smov.u32 s12;
	s12 =	smov.u32 s16;
	[tilespmem:s14+$0x10] =	vst v10;
	v16 =	vld.idx.msk [tilespmem:v23+s2+$0x0], $0xffff  }
.Ltmp4:
0x16b: {  	s16 =	smov.u32 s13;
	s13 =	sand.u32 $0x3, s25;
	[tilespmem:s31+$0x10] =	vst v11;
	v11 =	vld.idx.msk [tilespmem:v21+s2+$0x0], $0xffff;
	(pc) =	sbr.rel @p4 .LBB2_9-.Ltmp4, $4  }
0x16c: {  	p2 =	por !p2, !p2;
	s17 =	smov.u32 s24;
	s11 =	sshll.u32 s13, $0x8;
	v12 =	vld.idx.msk [tilespmem:v12+s2+$0x0], $0xffff;
	[tilespmem:s9+$0x280] =	vst v20  }
0x16d: {  	v9 =	vadd.s32 s30, v3;
	s24 =	smov.u32 s29;
	s4 =	smov.u32 s17;
	v17 =	vadd.s32 s17, v4;
	v14 =	vld.idx.msk [tilespmem:v24+s2+$0x0], $0xffff;
	s8 =	sadd.s32 s8, s11;
	[tilespmem:s7+$0x70] =	vst v13  }
0x16e: {  	s17 =	smov.u32 s3;
	v15 =	vadd.s32 s22, v5;
	s25 =	sadd.s32 $0x2, s25;
	v18 =	vadd.s32 s23, v4;
	v10 =	vld.idx.msk [tilespmem:v19+s2+$0x0], $0xffff;
	s29 =	sadd.s32 $0x100, s8;
	[tilespmem:s3+$0x40] =	vst v22  }
0x16f: {  	v19 =	vadd.s32 s15, v7;
	v13 =	vadd.s32 s10, v3;
	s10 =	sadd.s32 $0x4, s28;
	s3 =	rddreg [dreg:$0x11];
	v20 =	vld.idx.msk [tilespmem:v25+s2+$0x0], $0xffff;
	s13 =	sor.u32 $0x400, s29;
	[tilespmem:s20+$0x30] =	vst v26  }
0x170: {  	s0 =	smov.u32 s19  }
0x171: {  	s19 =	smov.u32 s16;
	s16 =	smov.u32 s18;
	s8 =	smov.u32 s21  }
0x172: {  	s5 =	smov.u32 s20;
	s9 =	smov.u32 s22;
	s11 =	rddreg [dreg:$0x9]  }
0x173: {  	s7 =	smov.u32 s15;
	s21 =	smov.u32 s31;
	s1 =	smov.u32 s4  }
0x174: {  	s15 =	smov.u32 s30;
	s6 =	smov.u32 s17;
	s22 =	rddreg [dreg:$0x6]  }
0x175: {  	s29 =	smov.u32 s12;
	s12 =	rddreg [dreg:$0x19];
	s18 =	simm.s32 $0x0  }
0x176: {  	s28 =	smov.u32 s10;
	s31 =	smov.u32 s0;
	s0 =	smov.u32 s23  }
.LBB2_11:
0x177: {  	_ =	sdelay $0x2  }
0x178: {  	[tilespmem:s8+$0x60] =	vst @p1 v14  }
0x179: {  	[tilespmem:s13+$0x280] =	vst @p3 v16;
	v16 =	vld.idx.msk @p1 [tilespmem:v17+s2+$0x0], $0xffff  }
0x17a: {  	v42 =	vadd.s32 s16, v2;
	[tilespmem:s26+$0x20] =	vst v11;
	v14 =	vld.idx.msk @p1 [tilespmem:v19+s2+$0x0], $0xffff  }
0x17b: {  	v11 =	vadd.s32 @p1 s1, v5;
	[tilespmem:s21+$0x20] =	vst v10  }
0x17c: {  	v19 =	vadd.s32 @p1 s7, v8;
	v9 =	vld.idx.msk [tilespmem:v9+s2+$0x0], $0xffff  }
0x17d: {  	v15 =	vld.idx.msk @p1 [tilespmem:v15+s2+$0x0], $0xffff;
	[tilespmem:s19+$0x20] =	vst v12;
	v45 =	vadd.s32 s15, v4  }
0x17e: {  	v13 =	vld.idx.msk [tilespmem:v13+s2+$0x0], $0xffff;
	[tilespmem:s29+$0x40] =	vst @p1 v16  }
0x17f: {  	s3 =	sor.u32 @p3 $0x400, s3;
	[tilespmem:s8+$0x70] =	vst @p1 v14;
	v14 =	vld.idx.msk [tilespmem:v42+s2+$0x0], $0xffff  }
0x180: {  	v43 =	vadd.s32 s24, v3;
	[tilespmem:s3+$0x280] =	vst @p3 v20;
	v11 =	vld.idx.msk @p1 [tilespmem:v11+s2+$0x0], $0xffff  }
0x181: {  	v47 =	vadd.s32 s22, v4;
	s7 =	sand.u32 @p1 $0x7, s28;
	[tilespmem:s21+$0x30] =	vst v9;
	v19 =	vld.idx.msk @p1 [tilespmem:v19+s2+$0x0], $0xffff  }
0x182: {  	s7 =	sshll.u32 @p1 s7, $0x7;
	[tilespmem:s6+$0x50] =	vst @p1 v15;
	v15 =	vadd.s32 @p1 s1, v6;
	s8 =	smov.u32 @p1 s11;
	v12 =	vld.idx.msk [tilespmem:v45+s2+$0x0], $0xffff  }
0x183: {  	v10 =	vld.idx.msk @p1 [tilespmem:v18+s2+$0x0], $0xffff;
	v44 =	vadd.s32 s16, v3;
	[tilespmem:s26+$0x30] =	vst v13;
	s7 =	sadd.s32 @p1 s8, s7  }
0x184: {  	v50 =	vadd.s32 s15, v5;
	s10 =	sadd.s32 @p1 $0x180, s7;
	[tilespmem:s14+$0x20] =	vst v14  }
0x185: {  	v20 =	vadd.s32 @p1 s0, v5;
	v46 =	vld.idx.msk [tilespmem:v43+s2+$0x0], $0xffff;
	s3 =	sor.u32 @p1 $0x400, s10;
	[tilespmem:s29+$0x50] =	vst @p1 v11  }
0x186: {  	v14 =	vld.idx.msk [tilespmem:v47+s2+$0x0], $0xffff;
	[tilespmem:s3+$0x280] =	vst @p1 v19;
	v19 =	vadd.s32 @p1 s9, v6  }
0x187: {  	s3 =	smov.u32 @p1 s5;
	v13 =	vld.idx.msk @p1 [tilespmem:v15+s2+$0x0], $0xffff;
	[tilespmem:s21+$0x40] =	vst v12  }
0x188: {  	v48 =	vadd.s32 s24, v4;
	[tilespmem:s3+$0x40] =	vst @p1 v10;
	v10 =	vld.idx.msk [tilespmem:v44+s2+$0x0], $0xffff  }
0x189: {  	v49 =	vadd.s32 s16, v4;
	v15 =	vld.idx.msk [tilespmem:v50+s2+$0x0], $0xffff  }
0x18a: {  	v9 =	vld.idx.msk @p1 [tilespmem:v20+s2+$0x0], $0xffff  }
0x18b: {  	v54 =	vadd.s32 s15, v6;
	[tilespmem:s19+$0x30] =	vst v46;
	v17 =	vld.idx.msk @p1 [tilespmem:v19+s2+$0x0], $0xffff  }
0x18c: {  	v20 =	vadd.s32 @p1 s9, v7;
	[tilespmem:s26+$0x40] =	vst v14  }
0x18d: {  	v51 =	vadd.s32 s22, v5;
	[tilespmem:s14+$0x30] =	vst v10;
	v10 =	vld.idx.msk [tilespmem:v48+s2+$0x0], $0xffff  }
0x18e: {  	v52 =	vadd.s32 s24, v5;
	[tilespmem:s21+$0x50] =	vst v15;
	v53 =	vld.idx.msk [tilespmem:v49+s2+$0x0], $0xffff  }
0x18f: {  	[tilespmem:s3+$0x50] =	vst @p1 v9;
	v9 =	vadd.s32 s16, v5  }
0x190: {  	v11 =	vadd.s32 @p1 s0, v6;
	v14 =	vld.idx.msk [tilespmem:v54+s2+$0x0], $0xffff;
	[tilespmem:s6+$0x60] =	vst @p1 v17  }
0x191: {  	v19 =	vld.idx.msk @p1 [tilespmem:v20+s2+$0x0], $0xffff;
	v20 =	vadd.s32 @p1 s1, v7  }
0x192: {  	v57 =	vadd.s32 s15, v7;
	v16 =	vld.idx.msk [tilespmem:v51+s2+$0x0], $0xffff;
	[tilespmem:s19+$0x40] =	vst v10  }
0x193: {  	v10 =	vadd.s32 s22, v6;
	v17 =	vld.idx.msk [tilespmem:v52+s2+$0x0], $0xffff;
	[tilespmem:s14+$0x40] =	vst v53  }
0x194: {  	v55 =	vadd.s32 s24, v6;
	v9 =	vld.idx.msk [tilespmem:v9+s2+$0x0], $0xffff  }
0x195: {  	v56 =	vadd.s32 s16, v6;
	[tilespmem:s29+$0x60] =	vst @p1 v13;
	v11 =	vld.idx.msk @p1 [tilespmem:v11+s2+$0x0], $0xffff  }
0x196: {  	[tilespmem:s21+$0x60] =	vst v14;
	v18 =	vld.idx.msk @p1 [tilespmem:v20+s2+$0x0], $0xffff;
	v20 =	vadd.s32 @p1 s0, v7  }
0x197: {  	v12 =	vadd.s32 @p1 s9, v8;
	[tilespmem:s26+$0x50] =	vst v16;
	v14 =	vld.idx.msk [tilespmem:v57+s2+$0x0], $0xffff  }
0x198: {  	v15 =	vadd.s32 @p1 s1, v8;
	v10 =	vld.idx.msk [tilespmem:v10+s2+$0x0], $0xffff;
	[tilespmem:s19+$0x50] =	vst v17  }
0x199: {  	v58 =	vadd.s32 s22, v7;
	v13 =	vld.idx.msk [tilespmem:v55+s2+$0x0], $0xffff;
	[tilespmem:s14+$0x50] =	vst v9  }
0x19a: {  	[tilespmem:s3+$0x60] =	vst @p1 v11;
	v9 =	vadd.s32 s24, v7;
	v11 =	vld.idx.msk [tilespmem:v56+s2+$0x0], $0xffff  }
0x19b: {  	v59 =	vadd.s32 s16, v7;
	[tilespmem:s6+$0x70] =	vst @p1 v19;
	v19 =	vld.idx.msk @p1 [tilespmem:v20+s2+$0x0], $0xffff  }
0x19c: {  	s4 =	sadd.s32 @p1 $0x2, s25;
	v12 =	vld.idx.msk @p1 [tilespmem:v12+s2+$0x0], $0xffff;
	[tilespmem:s29+$0x70] =	vst @p1 v18;
	v20 =	vadd.s32 @p1 s0, v8  }
0x19d: {  	p3 =	por !p2, !p1;
	s18 =	smov.u32 @p1 s4;
	s1 =	simm.s32 $0x1;
	[tilespmem:s26+$0x60] =	vst v10;
	v15 =	vld.idx.msk @p1 [tilespmem:v15+s2+$0x0], $0xffff  }
0x19e: {  	p2 =	por @p1 !p2, !p2;
	s4 =	simm.s32 $0x1;
	s1 =	simm.s32 @p3 $0x0;
	v10 =	vadd.s32 s15, v8;
	v60 =	vld.idx.msk [tilespmem:v58+s2+$0x0], $0xffff;
	[tilespmem:s19+$0x60] =	vst v13  }
0x19f: {  	v61 =	vadd.s32 s22, v8;
	p2 =	por @!p1 p0, p0;
	s20 =	sand.u32 $0x3, s18;
	s0 =	sshll.u32 @p1 s1, $0x9;
	v9 =	vld.idx.msk [tilespmem:v9+s2+$0x0], $0xffff;
	[tilespmem:s14+$0x60] =	vst v11  }
0x1a0: {  	s5 =	simm.s32 $0x0;
	s1 =	sand.u32 @p1 $0x3, s25;
	s0 =	sadd.s32 @p1 s8, s0;
	v11 =	vadd.s32 s24, v8;
	v62 =	vld.idx.msk [tilespmem:v59+s2+$0x0], $0xffff;
	[tilespmem:s3+$0x70] =	vst @p1 v19  }
0x1a1: {  	v63 =	vadd.s32 s16, v8;
	[tilespmem:s21+$0x70] =	vst v14;
	s1 =	sshll.u32 @p1 s1, $0x8;
	s0 =	sor.u32 @p1 $0x400, s0;
	s3 =	sadd.s32 @p1 $0x4, s28;
	v18 =	vld.idx.msk @p1 [tilespmem:v20+s2+$0x0], $0xffff  }
0x1a2: {  	s4 =	simm.s32 @!p2 $0x0;
	s1 =	sadd.s32 @p1 s8, s1;
	[tilespmem:s0+$0x280] =	vst @p1 v12;
	s5 =	smov.u32 @p1 s3  }
0x1a3: {  	s4 =	sshll.u32 s4, $0x9;
	s1 =	sadd.s32 @p1 $0x100, s1;
	v10 =	vld.idx.msk [tilespmem:v10+s2+$0x0], $0xffff;
	[tilespmem:s26+$0x70] =	vst v60;
	s3 =	sand.u32 $0x7, s5  }
0x1a4: {  	s0 =	sor.u32 @p1 $0x400, s1;
	s1 =	sadd.s32 @p1 $0x80, s7;
	v13 =	vld.idx.msk [tilespmem:v61+s2+$0x0], $0xffff;
	s3 =	sshll.u32 s3, $0x7;
	[tilespmem:s19+$0x70] =	vst v9  }
0x1a5: {  	s0 =	smov.u32 @p1 s0;
	s1 =	smov.u32 @p1 s1;
	v9 =	vpsel p1, v15, v0;
	[tilespmem:s14+$0x70] =	vst v62;
	s3 =	sadd.s32 s31, s3;
	v11 =	vld.idx.msk [tilespmem:v11+s2+$0x0], $0xffff  }
0x1a6: {  	s1 =	sor.u32 @p1 $0x400, s1;
	s5 =	sshll.u32 s20, $0x8;
	[tilespmem:s0+$0x280] =	vst @p1 v9;
	s21 =	sadd.s32 $0x180, s3;
	v9 =	vld.idx.msk [tilespmem:v63+s2+$0x0], $0xffff;
	v14 =	vpsel p1, v18, v0  }
0x1a7: {  	s22 =	sadd.s32 s31, s4;
	s23 =	sadd.s32 s31, s5;
	s0 =	sor.u32 $0x400, s21;
	[tilespmem:s1+$0x280] =	vst @p1 v14  }
0x1a8: {  	s24 =	sor.u32 $0x400, s22;
	s25 =	sadd.s32 $0x100, s23;
	[tilespmem:s0+$0x280] =	vst v10  }
0x1a9: {  	s26 =	sadd.s32 $0x80, s3;
	[tilespmem:s24+$0x280] =	vst v13;
	s1 =	sor.u32 $0x400, s25  }
0x1aa: {  	s0 =	sor.u32 $0x400, s26;
	[tilespmem:s1+$0x280] =	vst v11  }
0x1ab: {  	s28 =	simm.s32 $0x1;
	[tilespmem:s0+$0x280] =	vst v9  }
0x1ac: {  	_ =	swait.ge [sflag:s28], $0x4800  }
0x1ad: {  	s30 =	simm.s32 $0x4A80;
	[sflag:s28] =	ssyncset.done $0x0  }
0x1ae: {  	s3 =	simm.s32 $0x2;
	s29 =	rddreg [dreg:$0x17];
	[sflag:s28] =	ssyncadd.s32 $0xFFFFB800  }
0x1af: {  	[hbm4b:s29+s2] =	stream.linear.scatter [tilespmem:s30], [sflag:$0x2], $0x4800, $0x38;
	[tilespmem:$0x9280] =	vst v63  }
0x1b0: {  	_ =	swait.ge [sflag:s3], $0x4800  }
0x1b1: {  	s12 =	sadd.s32 $0x1, s12;
	s31 =	rddreg [dreg:$0x18]  }
0x1b2: {  	p0 =	sne.s32 s12, s31  }
.Ltmp5:
0x1b3: {  	_ = 	snop;
	(pc) =	sbr.rel @p0 .LBB2_1-.Ltmp5, $4  }
.Ltmp6:
0x1b4: {  	_ = 	snop;
	(pc) =	sbr.rel @!p0 .LBB2_12-.Ltmp6, $4  }
0x1b5: {  	_ = 	snop  }
0x1b6: {  	[sflag:s3] =	ssyncset.done $0x0  }
0x1b7: {  	[sflag:s3] =	ssyncadd.s32 $0xFFFFB800  }
0x1b8: {  	_ = 	snop  }
.LBB2_4:
.Ltmp7:
0x1b9: {  	s24 =	smov.u32 s1;
	(pc) =	sbr.rel .LBB2_11-.Ltmp7, $4  }
0x1ba: {  	s26 =	smov.u32 s6;
	s31 =	simm.s32 $0x4800;
	s16 =	smov.u32 s0  }
0x1bb: {  	s19 =	smov.u32 s29;
	s14 =	smov.u32 s5;
	s21 =	smov.u32 s8  }
0x1bc: {  	s15 =	smov.u32 s7;
	s28 =	simm.s32 $0x0;
	s22 =	smov.u32 s9  }
0x1bd: {  	p2 =	por $0x0, $0x0;
	s25 =	simm.s32 $0x0;
	s12 =	rddreg [dreg:$0x19]  }
.LBB2_6:
.Ltmp8:
0x1be: {  	(pc) =	sbr.rel .LBB2_11-.Ltmp8, $4  }
0x1bf: {  	_ = 	snop  }
0x1c0: {  	s24 =	smov.u32 s28;
	s26 =	smov.u32 s14  }
0x1c1: {  	s19 =	smov.u32 s17;
	s28 =	simm.s32 $0x0;
	p2 =	por $0x0, $0x0  }
0x1c2: {  	s25 =	simm.s32 $0x0;
	s14 =	smov.u32 s20;
	s12 =	rddreg [dreg:$0x19]  }
.LBB2_8:
0x1c3: {  	s19 =	smov.u32 s16;
	s16 =	smov.u32 s18  }
0x1c4: {  	s8 =	smov.u32 s21;
	s5 =	smov.u32 s20;
	s9 =	smov.u32 s22  }
.Ltmp9:
0x1c5: {  	s7 =	smov.u32 s15;
	s21 =	smov.u32 s31;
	(pc) =	sbr.rel .LBB2_11-.Ltmp9, $4  }
0x1c6: {  	s1 =	smov.u32 s4;
	s11 =	simm.s32 $0x4C00;
	s31 =	simm.s32 $0x5000  }
0x1c7: {  	s15 =	smov.u32 s30;
	s6 =	smov.u32 s17;
	s22 =	rddreg [dreg:$0x6]  }
0x1c8: {  	s0 =	smov.u32 s23;
	s29 =	smov.u32 s12;
	s12 =	rddreg [dreg:$0x19]  }
0x1c9: {  	s18 =	simm.s32 $0x0;
	s28 =	simm.s32 $0x4;
	s25 =	simm.s32 $0x2  }
.LBB2_12:
0x1ca: {  	_ =	sfence.sel $0x180000  }
0x1cb: {  	[bflag:$0x0] =	sbarrier.arrive $0xFFFF  }
0x1cc: {  	_ =	strace $0x90000047  }
0x1cd: {  	s0 =	stileid.u32;
	[bflag:$0x2] =	sbarrier.arrive $0xFFFF  }
0x1ce: {  	p0 =	sne.s32 s0, $0x0;
	s0 =	rddreg [dreg:$0x2]  }
0x1cf: {  	s0 =	sadd.s32 @!p0 $0x100000, s0  }
0x1d0: {  	[sflag:s0] =	ssyncadd.tile.s32 @!p0 $0x1;
	_ =	shalt  }
.Lfunc_end2:
_tile_overlayer_lowered:
.L_overlay_start_2:
0x1d1: {  	(tag) =	ssettag $0x2  }
0x1d2: {  	s0 =	rddreg [dreg:$0x0];
	s2 =	stileid.u32  }
0x1d3: {  	s1 =	rddreg [dreg:$0x1];
	p0 =	sne.s32 s2, $0x0  }
0x1d4: {  	s3 =	rddreg [dreg:$0x2];
	[bflag:$0x3] =	sbarrier.arrive $0xFFFF;
	s2 =	simm.s32 @!p0 $0x1C02  }
0x1d5: {  	[timem:s3], [sflag:s2] =	dma.local @!p0 [hbm:s0], s1  }
0x1d6: {  	s0 =	simm.s32 @!p0 $0x2  }
0x1d7: {  	_ =	swait.ge @!p0 [sflag:s0], s1  }
0x1d8: {  	s1 =	ssub.s32 @!p0 $0x0, s1;
	[sflag:s0] =	ssyncset.done @!p0 $0x0  }
0x1d9: {  	[sflag:s0] =	ssyncadd.s32 @!p0 s1  }
0x1da: {  	[bflag:$0x3] =	sbarrier.arrive $0xFFFF  }
0x1db: {  	_ =	shalt  }

</sc_bundles>
